<compile_context>
chip_gen: v7x
topology: tpu7x:2x2x1
jax: 0.10.2.dev20260603
libtpu: 0.0.44.dev20260713+nightly
codegen_flags: <defaults>
</compile_context>

<pallas_src>
import functools

import jax
import jax.numpy as jnp
from jax import lax
from jax.experimental import pallas as pl
from jax.experimental.pallas import tpu as pltpu
from jax.experimental.pallas import tpu_sc as plsc

_N = 10000
_E = 320000
_D = 128

_NC = 2
_NS = 16
_NW = _NC * _NS
_CH = 128
_NCHUNK = _E // _CH
_CPT = _NCHUNK // _NW
_NTAIL = _NCHUNK - _CPT * _NW
_NPH = 2
_CPP = _CPT // _NPH
_RPT = _N // _NS
_ZR = 125
_DT = 10
_RPD = _N // _DT

_mesh = plsc.VectorSubcoreMesh(
    core_axis_name="c", subcore_axis_name="s", num_cores=_NC, num_subcores=_NS
)


def _deg_body(dst4_hbm, dstf_hbm, out_hbm, d_all, d_tail, ones_v, zbuf, sh_deg, sdeg):
    cid = lax.axis_index("c")
    sid = lax.axis_index("s")
    wid = cid * _NS + sid
    c0 = wid * _CPT

    @pl.loop(0, _CH)
    def _(r):
        ones_v[r, :] = jnp.ones((16,), jnp.float32)

    @pl.loop(0, _ZR)
    def _(r):
        zbuf[r, :] = jnp.zeros((16,), jnp.float32)

    row0 = sid * _RPT

    @pl.loop(0, _RPT // _ZR)
    def _(j):
        pltpu.sync_copy(zbuf, sh_deg.at[pl.ds(row0 + j * _ZR, _ZR)])

    pltpu.sync_copy(dst4_hbm.at[wid], d_all)

    plsc.subcore_barrier()

    @pl.loop(0, _CPT)
    def _(k):
        pltpu.sync_copy(ones_v, sh_deg.at[d_all.at[k]], add=True)

    @pl.when(wid < _NTAIL)
    def _():
        base = _NW * _CPT * _CH + wid * _CH
        pltpu.sync_copy(dstf_hbm.at[pl.ds(base, _CH)], d_tail)
        pltpu.sync_copy(ones_v, sh_deg.at[d_tail], add=True)

    plsc.subcore_barrier()

    @pl.when(sid < _DT)
    def _():
        r0 = sid * _RPD
        pltpu.sync_copy(
            sh_deg.at[pl.ds(r0, _RPD)], out_hbm.at[cid, pl.ds(r0, _RPD)]
        )


_deg_call = functools.partial(
    pl.kernel,
    out_type=jax.ShapeDtypeStruct((_NC, _N, 16), jnp.float32),
    mesh=_mesh,
    scratch_types=[
        pltpu.VMEM((_CPT, _CH), jnp.int32),
        pltpu.VMEM((_CH,), jnp.int32),
        pltpu.VMEM((_CH, 16), jnp.float32),
        pltpu.VMEM((_ZR, 16), jnp.float32),
        pltpu.VMEM_SHARED((_N, 16), jnp.float32),
        pltpu.SemaphoreType.DMA,
    ],
)(_deg_body)


def _edge_body(h2_hbm, src5_hbm, dst5_hbm, srcf_hbm, dstf_hbm, out_hbm,
               es0, es1, es2, ed0, ed1, ed2, rows0, rows1, rows2, sh_acc,
               sg0, sg1, sg2):
    es_r = [es0, es1, es2]
    ed_r = [ed0, ed1, ed2]
    rows_r = [rows0, rows1, rows2]
    sg_r = [sg0, sg1, sg2]
    cid = lax.axis_index("c")
    sid = lax.axis_index("s")
    wid = cid * _NS + sid
    c0 = wid * _CPT

    @pl.loop(0, _ZR)
    def _(r):
        @pl.loop(0, _D // 16)
        def _(c):
            rows0[r, pl.ds(c * 16, 16)] = jnp.zeros((16,), jnp.float32)

    row0 = sid * _RPT

    @pl.loop(0, _RPT // _ZR)
    def _(j):
        pltpu.sync_copy(rows0.at[pl.ds(0, _ZR)],
                        sh_acc.at[pl.ds(row0 + j * _ZR, _ZR)])

    plsc.subcore_barrier()

    def fetch_and_gather(k, j):
        base = (c0 + k) * _CH
        pltpu.sync_copy(srcf_hbm.at[pl.ds(base, _CH)], es_r[j])
        pltpu.sync_copy(dstf_hbm.at[pl.ds(base, _CH)], ed_r[j])
        pltpu.async_copy(h2_hbm.at[es_r[j]], rows_r[j], sg_r[j])

    def wait_gather(j):
        pltpu.make_async_copy(h2_hbm.at[es_r[j]], rows_r[j], sg_r[j]).wait()

    for j in range(3):
        fetch_and_gather(j, j)

    nt = _CPT // 3

    @pl.loop(0, nt)
    def _(t):
        for j in range(3):
            wait_gather(j)
            pltpu.sync_copy(rows_r[j], sh_acc.at[ed_r[j]], add=True)

            @pl.when(3 * t + j + 3 < _CPT)
            def _():
                fetch_and_gather(3 * t + j + 3, j)

    @pl.when(wid < _NTAIL)
    def _():
        base = _NW * _CPT * _CH + wid * _CH
        pltpu.sync_copy(srcf_hbm.at[pl.ds(base, _CH)], es0)
        pltpu.sync_copy(dstf_hbm.at[pl.ds(base, _CH)], ed0)
        pltpu.sync_copy(h2_hbm.at[es0], rows0)
        pltpu.sync_copy(rows0, sh_acc.at[ed0], add=True)

    plsc.subcore_barrier()

    @pl.when(sid < _DT)
    def _():
        r0 = sid * _RPD
        pltpu.sync_copy(
            sh_acc.at[pl.ds(r0, _RPD)], out_hbm.at[cid, pl.ds(r0, _RPD)]
        )


_edge_call = functools.partial(
    pl.kernel,
    out_type=jax.ShapeDtypeStruct((_NC, _N, _D), jnp.float32),
    mesh=_mesh,
    scratch_types=[
        pltpu.VMEM((_CH,), jnp.int32),
        pltpu.VMEM((_CH,), jnp.int32),
        pltpu.VMEM((_CH,), jnp.int32),
        pltpu.VMEM((_CH,), jnp.int32),
        pltpu.VMEM((_CH,), jnp.int32),
        pltpu.VMEM((_CH,), jnp.int32),
        pltpu.VMEM((_CH, _D), jnp.float32),
        pltpu.VMEM((_CH, _D), jnp.float32),
        pltpu.VMEM((_CH, _D), jnp.float32),
        pltpu.VMEM_SHARED((_N, _D), jnp.float32),
        pltpu.SemaphoreType.DMA,
        pltpu.SemaphoreType.DMA,
        pltpu.SemaphoreType.DMA,
    ],
)(_edge_body)


_BM = 2000


def _h2_body(x_ref, w_ref, degp_ref, o_ref):
    h = jnp.dot(
        x_ref[...], w_ref[...],
        preferred_element_type=jnp.float32,
        precision=lax.Precision.HIGHEST,
    )
    d = degp_ref[0, :, 0:1] + degp_ref[1, :, 0:1] + 1.0
    o_ref[...] = h * lax.rsqrt(d)


def _h2_call(x, W, degp):
    return pl.pallas_call(
        _h2_body,
        grid=(_N // _BM,),
        in_specs=[
            pl.BlockSpec((_BM, _D), lambda i: (i, 0)),
            pl.BlockSpec((_D, _D), lambda i: (0, 0)),
            pl.BlockSpec((_NC, _BM, 16), lambda i: (0, i, 0)),
        ],
        out_specs=pl.BlockSpec((_BM, _D), lambda i: (i, 0)),
        out_shape=jax.ShapeDtypeStruct((_N, _D), jnp.float32),
    )(x, W, degp)


def _out_body(acc_ref, h2_ref, degp_ref, b_ref, o_ref):
    d = degp_ref[0, :, 0:1] + degp_ref[1, :, 0:1] + 1.0
    s = acc_ref[0] + acc_ref[1] + h2_ref[...]
    o_ref[...] = s * lax.rsqrt(d) + b_ref[...]


def _out_call(acc, h2, degp, b2):
    return pl.pallas_call(
        _out_body,
        grid=(_N // _BM,),
        in_specs=[
            pl.BlockSpec((_NC, _BM, _D), lambda i: (0, i, 0)),
            pl.BlockSpec((_BM, _D), lambda i: (i, 0)),
            pl.BlockSpec((_NC, _BM, 16), lambda i: (0, i, 0)),
            pl.BlockSpec((1, _D), lambda i: (0, 0)),
        ],
        out_specs=pl.BlockSpec((_BM, _D), lambda i: (i, 0)),
        out_shape=jax.ShapeDtypeStruct((_N, _D), jnp.float32),
    )(acc, h2, degp, b2)


@jax.jit
def kernel(x, edge_index, W, b):
    ei = edge_index.astype(jnp.int32)
    nmain = _NW * _CPT * _CH
    src_m = ei[0, :nmain].reshape(_NW, _NPH, _CPP, _CH)
    dst_m = ei[1, :nmain].reshape(_NW, _NPH, _CPP, _CH)
    dst4 = ei[1, :nmain].reshape(_NW, _CPT, _CH)
    degp = _deg_call(dst4, ei[1])
    h2 = _h2_call(x, W, degp)
    acc = _edge_call(h2, src_m, dst_m, ei[0], ei[1])
    return _out_call(acc, h2, degp, b.reshape(1, _D))

# --- scband reference (transcript-rebuilt; emitter-appended) ---
"""Pipeline reference for scband-linear-encoder-54924041781477 (READ-ONLY COPY).

The authoritative reference and input builder live on the scoring server;
editing this copy changes nothing except your own understanding.
"""

import jax, jax.numpy as jnp
import numpy as np

N = 10000
E = 320000
D_IN = 128
D_OUT = 128


def setup_inputs(seed: int = 0) -> dict:
    key = jax.random.key(seed)
    k1, k2, k3 = jax.random.split(key, 3)
    x = jax.random.normal(k1, (N, D_IN), dtype=jnp.float32)
    edge_index = jax.random.randint(k2, (2, E), 0, N)
    # GCNConv parameters: linear weight (no bias inside lin) + separate bias
    W = jax.random.normal(k3, (D_IN, D_OUT), dtype=jnp.float32) * (1.0 / np.sqrt(D_IN))
    b = jnp.zeros((D_OUT,), dtype=jnp.float32)
    return {"x": x, "edge_index": edge_index, "W": W, "b": b}


def reference(x, edge_index, W, b):
    # Faithful GCNConv (PyG semantics): add self-loops, symmetric normalization
    # out = D^{-1/2} (A + I) D^{-1/2} X W + b
    n = x.shape[0]
    loop = jnp.arange(n, dtype=edge_index.dtype)
    src = jnp.concatenate([edge_index[0], loop])
    dst = jnp.concatenate([edge_index[1], loop])
    # degree computed on destination nodes (with self-loops), edge weight = 1
    deg = jnp.zeros((n,), dtype=x.dtype).at[dst].add(1.0)
    deg_inv_sqrt = jnp.where(deg > 0, jax.lax.rsqrt(deg), 0.0)
    norm = deg_inv_sqrt[src] * deg_inv_sqrt[dst]
    # linear transform first (in_channels -> out_channels)
    h = x @ W
    # gather messages from source nodes, scale, scatter-add to destinations
    msg = jnp.take(h, src, axis=0) * norm[:, None]
    out = jax.ops.segment_sum(msg, dst, num_segments=n)
    return out + b

if __name__ == "__main__":
    import jax
    _d = setup_inputs()
    print(jax.jit(kernel)(*tuple(_d.values())))

</pallas_src>

<mosaic_0001>
#map = affine_map<(d0, d1) -> (0, 0)>
#map1 = affine_map<(d0, d1) -> (0, 0, 0, 0)>
#map2 = affine_map<(d0, d1) -> (0)>
#map3 = affine_map<(d0, d1) -> (0, 0, 0)>
module attributes {stable_mosaic.version = 14 : i64} {
  func.func @_edge_body(%arg0: i32, %arg1: i32, %arg2: memref<10000x128xf32, #tpu.memory_space<hbm>>, %arg3: memref<32x2x39x128xi32, #tpu.memory_space<hbm>>, %arg4: memref<32x2x39x128xi32, #tpu.memory_space<hbm>>, %arg5: memref<320000xi32, #tpu.memory_space<hbm>>, %arg6: memref<320000xi32, #tpu.memory_space<hbm>>, %arg7: memref<2x10000x128xf32, #tpu.memory_space<hbm>>, %arg8: memref<128xi32, #tpu.memory_space<vmem>>, %arg9: memref<128xi32, #tpu.memory_space<vmem>>, %arg10: memref<128xi32, #tpu.memory_space<vmem>>, %arg11: memref<128xi32, #tpu.memory_space<vmem>>, %arg12: memref<128xi32, #tpu.memory_space<vmem>>, %arg13: memref<128xi32, #tpu.memory_space<vmem>>, %arg14: memref<128x128xf32, #tpu.memory_space<vmem>>, %arg15: memref<128x128xf32, #tpu.memory_space<vmem>>, %arg16: memref<128x128xf32, #tpu.memory_space<vmem>>, %arg17: memref<10000x128xf32, #tpu.memory_space<vmem_shared>>, %arg18: memref<!tpu.dma_semaphore, #tpu.memory_space<semaphore_mem>>, %arg19: memref<!tpu.dma_semaphore, #tpu.memory_space<semaphore_mem>>, %arg20: memref<!tpu.dma_semaphore, #tpu.memory_space<semaphore_mem>>) attributes {dimension_semantics = [#tpu.dimension_semantics<core_parallel>, #tpu.dimension_semantics<subcore_parallel>], iteration_bounds = array<i64: 2, 16>, scalar_prefetch = 0 : i64, scratch_operands = 13 : i64, tpu.core_type = #tpu.core_type<sc_vector_subcore>, window_params = [{transform_indices = #map}, {transform_indices = #map1}, {transform_indices = #map1}, {transform_indices = #map2}, {transform_indices = #map2}, {transform_indices = #map3}]} {
    %mul3A = arith.constant 16 : i32
    %mul3A_0 = arith.muli %arg0, %mul3A : i32
    %add3A = arith.addi %mul3A_0, %arg1 : i32
    %mul3A_1 = arith.constant 78 : i32
    %mul3A_2 = arith.muli %add3A, %mul3A_1 : i32
    %scan3A = arith.constant 0 : i32
    %scan3A_3 = arith.constant 125 : i32
    %scan3A_4 = arith.addi %scan3A, %scan3A_3 : i32
    %scan3A_5 = arith.constant 1 : i32
    scf.for %scan3A_47 = %scan3A to %scan3A_4 step %scan3A_5  : i32 {
      %mul3A_48 = arith.constant 1 : i32
      %mul3A_49 = arith.muli %scan3A_47, %mul3A_48 : i32
      %add3A_50 = arith.constant 0 : i32
      %add3A_51 = arith.addi %add3A_50, %mul3A_49 : i32
      %scan3A_52 = arith.constant 0 : i32
      %scan3A_53 = arith.constant 8 : i32
      %scan3A_54 = arith.addi %scan3A_52, %scan3A_53 : i32
      %scan3A_55 = arith.constant 1 : i32
      scf.for %scan3A_57 = %scan3A_52 to %scan3A_54 step %scan3A_55  : i32 {
        %mul3A_58 = arith.constant 1 : i32
        %mul3A_59 = arith.muli %scan3A_57, %mul3A_58 : i32
        %add3A_60 = arith.constant 0 : i32
        %add3A_61 = arith.addi %add3A_60, %mul3A_59 : i32
        %broadcast_in_dim3A = arith.constant 0.000000e+00 : f32
        %broadcast_in_dim3A_62 = vector.broadcast %broadcast_in_dim3A : f32 to vector<16xf32>
        %mul3A_63 = arith.constant 16 : i32
        %mul3A_64 = arith.muli %add3A_61, %mul3A_63 : i32
        %swap3A = arith.index_cast %add3A_51 : i32 to index
        %swap3A_65 = arith.index_cast %mul3A_64 : i32 to index
        %swap3A_66 = tpu.vector_load %arg14[%swap3A, %swap3A_65] {strides = array<i32>} : memref<128x128xf32, #tpu.memory_space<vmem>>, vector<1x16xf32>,
        %swap3A_67 = vector.shape_cast %swap3A_66 : vector<1x16xf32> to vector<16xf32>
        %swap3A_68 = vector.shape_cast %broadcast_in_dim3A_62 : vector<16xf32> to vector<1x16xf32>
        tpu.vector_store %arg14[%swap3A, %swap3A_65], %swap3A_68 {strides = array<i32>} : memref<128x128xf32, #tpu.memory_space<vmem>>, vector<1x16xf32>,
      }
      %scan3A_56 = arith.constant 8 : i32
    }
    %scan3A_6 = arith.constant 125 : i32
    %mul3A_7 = arith.constant 625 : i32
    %mul3A_8 = arith.muli %arg1, %mul3A_7 : i32
    %scan3A_9 = arith.constant 0 : i32
    %scan3A_10 = arith.constant 5 : i32
    %scan3A_11 = arith.addi %scan3A_9, %scan3A_10 : i32
    %scan3A_12 = arith.constant 1 : i32
    scf.for %scan3A_47 = %scan3A_9 to %scan3A_11 step %scan3A_12  : i32 {
      %mul3A_48 = arith.constant 1 : i32
      %mul3A_49 = arith.muli %scan3A_47, %mul3A_48 : i32
      %add3A_50 = arith.constant 0 : i32
      %add3A_51 = arith.addi %add3A_50, %mul3A_49 : i32
      %mul3A_52 = arith.constant 125 : i32
      %mul3A_53 = arith.muli %add3A_51, %mul3A_52 : i32
      %add3A_54 = arith.addi %mul3A_8, %mul3A_53 : i32
      "tpu.region"() ({
        %run_scoped3A = tpu.sem_alloc : memref<!tpu.dma_semaphore, #tpu.memory_space<semaphore_mem>>
        %dma_start3A_55 = arith.constant 0 : i32
        %dma_start3A_56 = arith.constant 0 : i32
        %dma_start3A_57 = tpu.memref_slice %arg14[%dma_start3A_55, %dma_start3A_56] : memref<128x128xf32, #tpu.memory_space<vmem>> -> memref<125x128xf32, #tpu.memory_space<vmem>>
        %dma_start3A_58 = arith.constant 0 : i32
        %dma_start3A_59 = tpu.memref_slice %arg17[%add3A_54, %dma_start3A_58] : memref<10000x128xf32, #tpu.memory_space<vmem_shared>> -> memref<125x128xf32, #tpu.memory_space<vmem_shared>>
        %dma_start3A_60 = arith.constant 0 : i32
        %dma_start3A_61 = tpu.memref_slice %arg17[%add3A_54, %dma_start3A_60] : memref<10000x128xf32, #tpu.memory_space<vmem_shared>> -> memref<125x128xf32, #tpu.memory_space<vmem_shared>>
        %dma_start3A_62 = arith.constant 0 : i32
        %dma_start3A_63 = arith.constant 0 : i32
        %dma_start3A_64 = tpu.memref_slice %arg14[%dma_start3A_62, %dma_start3A_63] : memref<128x128xf32, #tpu.memory_space<vmem>> -> memref<125x128xf32, #tpu.memory_space<vmem>>
        tpu.enqueue_dma source(%dma_start3A_64 : memref<125x128xf32, #tpu.memory_space<vmem>>) target(%dma_start3A_61 : memref<125x128xf32, #tpu.memory_space<vmem_shared>>) target_semaphore(%run_scoped3A : memref<!tpu.dma_semaphore, #tpu.memory_space<semaphore_mem>>)
        %dma_wait3A = arith.constant 0 : i32
        %dma_wait3A_65 = arith.constant 0 : i32
        %dma_wait3A_66 = tpu.memref_slice %arg14[%dma_wait3A, %dma_wait3A_65] : memref<128x128xf32, #tpu.memory_space<vmem>> -> memref<125x128xf32, #tpu.memory_space<vmem>>
        %dma_wait3A_67 = arith.constant 0 : i32
        %dma_wait3A_68 = tpu.memref_slice %arg17[%add3A_54, %dma_wait3A_67] : memref<10000x128xf32, #tpu.memory_space<vmem_shared>> -> memref<125x128xf32, #tpu.memory_space<vmem_shared>>
        %dma_wait3A_69 = arith.constant 0 : i32
        %dma_wait3A_70 = tpu.memref_slice %arg17[%add3A_54, %dma_wait3A_69] : memref<10000x128xf32, #tpu.memory_space<vmem_shared>> -> memref<125x128xf32, #tpu.memory_space<vmem_shared>>
        %dma_wait3A_71 = arith.constant 0 : i32
        %dma_wait3A_72 = arith.constant 0 : i32
        %dma_wait3A_73 = tpu.memref_slice %arg14[%dma_wait3A_71, %dma_wait3A_72] : memref<128x128xf32, #tpu.memory_space<vmem>> -> memref<125x128xf32, #tpu.memory_space<vmem>>
        tpu.wait_dma2 semaphore(%run_scoped3A : memref<!tpu.dma_semaphore, #tpu.memory_space<semaphore_mem>>) src(%dma_wait3A_73 : memref<125x128xf32, #tpu.memory_space<vmem>>) dst(%dma_wait3A_70 : memref<125x128xf32, #tpu.memory_space<vmem_shared>>)
        tpu.yield
      }) : () -> ()
    }
    %scan3A_13 = arith.constant 5 : i32
    %barrier3A = arith.constant 0 : index
    tpu.barrier barrier_id(%barrier3A)
    %add3A_14 = arith.constant 0 : i32
    %add3A_15 = arith.addi %mul3A_2, %add3A_14 : i32
    %mul3A_16 = arith.constant 128 : i32
    %mul3A_17 = arith.muli %add3A_15, %mul3A_16 : i32
    "tpu.region"() ({
      %run_scoped3A = tpu.sem_alloc : memref<!tpu.dma_semaphore, #tpu.memory_space<semaphore_mem>>
      %dma_start3A_47 = tpu.memref_slice %arg5[%mul3A_17] : memref<320000xi32, #tpu.memory_space<hbm>> -> memref<128xi32, #tpu.memory_space<hbm>>
      %dma_start3A_48 = tpu.memref_slice %arg5[%mul3A_17] : memref<320000xi32, #tpu.memory_space<hbm>> -> memref<128xi32, #tpu.memory_space<hbm>>
      tpu.enqueue_dma source(%dma_start3A_48 : memref<128xi32, #tpu.memory_space<hbm>>) target(%arg8 : memref<128xi32, #tpu.memory_space<vmem>>) target_semaphore(%run_scoped3A : memref<!tpu.dma_semaphore, #tpu.memory_space<semaphore_mem>>)
      %dma_wait3A = tpu.memref_slice %arg5[%mul3A_17] : memref<320000xi32, #tpu.memory_space<hbm>> -> memref<128xi32, #tpu.memory_space<hbm>>
      %dma_wait3A_49 = tpu.memref_slice %arg5[%mul3A_17] : memref<320000xi32, #tpu.memory_space<hbm>> -> memref<128xi32, #tpu.memory_space<hbm>>
      tpu.wait_dma2 semaphore(%run_scoped3A : memref<!tpu.dma_semaphore, #tpu.memory_space<semaphore_mem>>) src(%dma_wait3A_49 : memref<128xi32, #tpu.memory_space<hbm>>) dst(%arg8 : memref<128xi32, #tpu.memory_space<vmem>>)
      tpu.yield
    }) : () -> ()
    "tpu.region"() ({
      %run_scoped3A = tpu.sem_alloc : memref<!tpu.dma_semaphore, #tpu.memory_space<semaphore_mem>>
      %dma_start3A_47 = tpu.memref_slice %arg6[%mul3A_17] : memref<320000xi32, #tpu.memory_space<hbm>> -> memref<128xi32, #tpu.memory_space<hbm>>
      %dma_start3A_48 = tpu.memref_slice %arg6[%mul3A_17] : memref<320000xi32, #tpu.memory_space<hbm>> -> memref<128xi32, #tpu.memory_space<hbm>>
      tpu.enqueue_dma source(%dma_start3A_48 : memref<128xi32, #tpu.memory_space<hbm>>) target(%arg11 : memref<128xi32, #tpu.memory_space<vmem>>) target_semaphore(%run_scoped3A : memref<!tpu.dma_semaphore, #tpu.memory_space<semaphore_mem>>)
      %dma_wait3A = tpu.memref_slice %arg6[%mul3A_17] : memref<320000xi32, #tpu.memory_space<hbm>> -> memref<128xi32, #tpu.memory_space<hbm>>
      %dma_wait3A_49 = tpu.memref_slice %arg6[%mul3A_17] : memref<320000xi32, #tpu.memory_space<hbm>> -> memref<128xi32, #tpu.memory_space<hbm>>
      tpu.wait_dma2 semaphore(%run_scoped3A : memref<!tpu.dma_semaphore, #tpu.memory_space<semaphore_mem>>) src(%dma_wait3A_49 : memref<128xi32, #tpu.memory_space<hbm>>) dst(%arg11 : memref<128xi32, #tpu.memory_space<vmem>>)
      tpu.yield
    }) : () -> ()
    %dma_start3A = arith.constant 0 : i32
    %dma_start3A_18 = arith.constant 0 : i32
    %dma_start3A_19 = tpu.memref_slice %arg2[%dma_start3A, %dma_start3A_18] : memref<10000x128xf32, #tpu.memory_space<hbm>> -> memref<10000x128xf32, #tpu.memory_space<hbm>>
    tpu.enqueue_indirect_dma source(%dma_start3A_19 : memref<10000x128xf32, #tpu.memory_space<hbm>>) target(%arg14 : memref<128x128xf32, #tpu.memory_space<vmem>>) offsets(%arg8 : memref<128xi32, #tpu.memory_space<vmem>>) semaphore(%arg18 : memref<!tpu.dma_semaphore, #tpu.memory_space<semaphore_mem>>)
    %add3A_20 = arith.constant 1 : i32
    %add3A_21 = arith.addi %mul3A_2, %add3A_20 : i32
    %mul3A_22 = arith.constant 128 : i32
    %mul3A_23 = arith.muli %add3A_21, %mul3A_22 : i32
    "tpu.region"() ({
      %run_scoped3A = tpu.sem_alloc : memref<!tpu.dma_semaphore, #tpu.memory_space<semaphore_mem>>
      %dma_start3A_47 = tpu.memref_slice %arg5[%mul3A_23] : memref<320000xi32, #tpu.memory_space<hbm>> -> memref<128xi32, #tpu.memory_space<hbm>>
      %dma_start3A_48 = tpu.memref_slice %arg5[%mul3A_23] : memref<320000xi32, #tpu.memory_space<hbm>> -> memref<128xi32, #tpu.memory_space<hbm>>
      tpu.enqueue_dma source(%dma_start3A_48 : memref<128xi32, #tpu.memory_space<hbm>>) target(%arg9 : memref<128xi32, #tpu.memory_space<vmem>>) target_semaphore(%run_scoped3A : memref<!tpu.dma_semaphore, #tpu.memory_space<semaphore_mem>>)
      %dma_wait3A = tpu.memref_slice %arg5[%mul3A_23] : memref<320000xi32, #tpu.memory_space<hbm>> -> memref<128xi32, #tpu.memory_space<hbm>>
      %dma_wait3A_49 = tpu.memref_slice %arg5[%mul3A_23] : memref<320000xi32, #tpu.memory_space<hbm>> -> memref<128xi32, #tpu.memory_space<hbm>>
      tpu.wait_dma2 semaphore(%run_scoped3A : memref<!tpu.dma_semaphore, #tpu.memory_space<semaphore_mem>>) src(%dma_wait3A_49 : memref<128xi32, #tpu.memory_space<hbm>>) dst(%arg9 : memref<128xi32, #tpu.memory_space<vmem>>)
      tpu.yield
    }) : () -> ()
    "tpu.region"() ({
      %run_scoped3A = tpu.sem_alloc : memref<!tpu.dma_semaphore, #tpu.memory_space<semaphore_mem>>
      %dma_start3A_47 = tpu.memref_slice %arg6[%mul3A_23] : memref<320000xi32, #tpu.memory_space<hbm>> -> memref<128xi32, #tpu.memory_space<hbm>>
      %dma_start3A_48 = tpu.memref_slice %arg6[%mul3A_23] : memref<320000xi32, #tpu.memory_space<hbm>> -> memref<128xi32, #tpu.memory_space<hbm>>
      tpu.enqueue_dma source(%dma_start3A_48 : memref<128xi32, #tpu.memory_space<hbm>>) target(%arg12 : memref<128xi32, #tpu.memory_space<vmem>>) target_semaphore(%run_scoped3A : memref<!tpu.dma_semaphore, #tpu.memory_space<semaphore_mem>>)
      %dma_wait3A = tpu.memref_slice %arg6[%mul3A_23] : memref<320000xi32, #tpu.memory_space<hbm>> -> memref<128xi32, #tpu.memory_space<hbm>>
      %dma_wait3A_49 = tpu.memref_slice %arg6[%mul3A_23] : memref<320000xi32, #tpu.memory_space<hbm>> -> memref<128xi32, #tpu.memory_space<hbm>>
      tpu.wait_dma2 semaphore(%run_scoped3A : memref<!tpu.dma_semaphore, #tpu.memory_space<semaphore_mem>>) src(%dma_wait3A_49 : memref<128xi32, #tpu.memory_space<hbm>>) dst(%arg12 : memref<128xi32, #tpu.memory_space<vmem>>)
      tpu.yield
    }) : () -> ()
    %dma_start3A_24 = arith.constant 0 : i32
    %dma_start3A_25 = arith.constant 0 : i32
    %dma_start3A_26 = tpu.memref_slice %arg2[%dma_start3A_24, %dma_start3A_25] : memref<10000x128xf32, #tpu.memory_space<hbm>> -> memref<10000x128xf32, #tpu.memory_space<hbm>>
    tpu.enqueue_indirect_dma source(%dma_start3A_26 : memref<10000x128xf32, #tpu.memory_space<hbm>>) target(%arg15 : memref<128x128xf32, #tpu.memory_space<vmem>>) offsets(%arg9 : memref<128xi32, #tpu.memory_space<vmem>>) semaphore(%arg19 : memref<!tpu.dma_semaphore, #tpu.memory_space<semaphore_mem>>)
    %add3A_27 = arith.constant 2 : i32
    %add3A_28 = arith.addi %mul3A_2, %add3A_27 : i32
    %mul3A_29 = arith.constant 128 : i32
    %mul3A_30 = arith.muli %add3A_28, %mul3A_29 : i32
    "tpu.region"() ({
      %run_scoped3A = tpu.sem_alloc : memref<!tpu.dma_semaphore, #tpu.memory_space<semaphore_mem>>
      %dma_start3A_47 = tpu.memref_slice %arg5[%mul3A_30] : memref<320000xi32, #tpu.memory_space<hbm>> -> memref<128xi32, #tpu.memory_space<hbm>>
      %dma_start3A_48 = tpu.memref_slice %arg5[%mul3A_30] : memref<320000xi32, #tpu.memory_space<hbm>> -> memref<128xi32, #tpu.memory_space<hbm>>
      tpu.enqueue_dma source(%dma_start3A_48 : memref<128xi32, #tpu.memory_space<hbm>>) target(%arg10 : memref<128xi32, #tpu.memory_space<vmem>>) target_semaphore(%run_scoped3A : memref<!tpu.dma_semaphore, #tpu.memory_space<semaphore_mem>>)
      %dma_wait3A = tpu.memref_slice %arg5[%mul3A_30] : memref<320000xi32, #tpu.memory_space<hbm>> -> memref<128xi32, #tpu.memory_space<hbm>>
      %dma_wait3A_49 = tpu.memref_slice %arg5[%mul3A_30] : memref<320000xi32, #tpu.memory_space<hbm>> -> memref<128xi32, #tpu.memory_space<hbm>>
      tpu.wait_dma2 semaphore(%run_scoped3A : memref<!tpu.dma_semaphore, #tpu.memory_space<semaphore_mem>>) src(%dma_wait3A_49 : memref<128xi32, #tpu.memory_space<hbm>>) dst(%arg10 : memref<128xi32, #tpu.memory_space<vmem>>)
      tpu.yield
    }) : () -> ()
    "tpu.region"() ({
      %run_scoped3A = tpu.sem_alloc : memref<!tpu.dma_semaphore, #tpu.memory_space<semaphore_mem>>
      %dma_start3A_47 = tpu.memref_slice %arg6[%mul3A_30] : memref<320000xi32, #tpu.memory_space<hbm>> -> memref<128xi32, #tpu.memory_space<hbm>>
      %dma_start3A_48 = tpu.memref_slice %arg6[%mul3A_30] : memref<320000xi32, #tpu.memory_space<hbm>> -> memref<128xi32, #tpu.memory_space<hbm>>
      tpu.enqueue_dma source(%dma_start3A_48 : memref<128xi32, #tpu.memory_space<hbm>>) target(%arg13 : memref<128xi32, #tpu.memory_space<vmem>>) target_semaphore(%run_scoped3A : memref<!tpu.dma_semaphore, #tpu.memory_space<semaphore_mem>>)
      %dma_wait3A = tpu.memref_slice %arg6[%mul3A_30] : memref<320000xi32, #tpu.memory_space<hbm>> -> memref<128xi32, #tpu.memory_space<hbm>>
      %dma_wait3A_49 = tpu.memref_slice %arg6[%mul3A_30] : memref<320000xi32, #tpu.memory_space<hbm>> -> memref<128xi32, #tpu.memory_space<hbm>>
      tpu.wait_dma2 semaphore(%run_scoped3A : memref<!tpu.dma_semaphore, #tpu.memory_space<semaphore_mem>>) src(%dma_wait3A_49 : memref<128xi32, #tpu.memory_space<hbm>>) dst(%arg13 : memref<128xi32, #tpu.memory_space<vmem>>)
      tpu.yield
    }) : () -> ()
    %dma_start3A_31 = arith.constant 0 : i32
    %dma_start3A_32 = arith.constant 0 : i32
    %dma_start3A_33 = tpu.memref_slice %arg2[%dma_start3A_31, %dma_start3A_32] : memref<10000x128xf32, #tpu.memory_space<hbm>> -> memref<10000x128xf32, #tpu.memory_space<hbm>>
    tpu.enqueue_indirect_dma source(%dma_start3A_33 : memref<10000x128xf32, #tpu.memory_space<hbm>>) target(%arg16 : memref<128x128xf32, #tpu.memory_space<vmem>>) offsets(%arg10 : memref<128xi32, #tpu.memory_space<vmem>>) semaphore(%arg20 : memref<!tpu.dma_semaphore, #tpu.memory_space<semaphore_mem>>)
    %scan3A_34 = arith.constant 0 : i32
    %scan3A_35 = arith.constant 26 : i32
    %scan3A_36 = arith.addi %scan3A_34, %scan3A_35 : i32
    %scan3A_37 = arith.constant 1 : i32
    scf.for %scan3A_47 = %scan3A_34 to %scan3A_36 step %scan3A_37  : i32 {
      %mul3A_48 = arith.constant 1 : i32
      %mul3A_49 = arith.muli %scan3A_47, %mul3A_48 : i32
      %add3A_50 = arith.constant 0 : i32
      %add3A_51 = arith.addi %add3A_50, %mul3A_49 : i32
      %dma_wait3A = arith.constant 0 : i32
      %dma_wait3A_52 = arith.constant 0 : i32
      %dma_wait3A_53 = tpu.memref_slice %arg2[%dma_wait3A, %dma_wait3A_52] : memref<10000x128xf32, #tpu.memory_space<hbm>> -> memref<10000x128xf32, #tpu.memory_space<hbm>>
      tpu.wait_indirect_dma semaphore(%arg18 : memref<!tpu.dma_semaphore, #tpu.memory_space<semaphore_mem>>) src(%dma_wait3A_53 : memref<10000x128xf32, #tpu.memory_space<hbm>>) dst(%arg14 : memref<128x128xf32, #tpu.memory_space<vmem>>)
      "tpu.region"() ({
        %run_scoped3A = tpu.sem_alloc : memref<!tpu.dma_semaphore, #tpu.memory_space<semaphore_mem>>
        %dma_start3A_93 = arith.constant 0 : i32
        %dma_start3A_94 = arith.constant 0 : i32
        %dma_start3A_95 = tpu.memref_slice %arg17[%dma_start3A_93, %dma_start3A_94] : memref<10000x128xf32, #tpu.memory_space<vmem_shared>> -> memref<10000x128xf32, #tpu.memory_space<vmem_shared>>
        tpu.enqueue_indirect_dma source(%arg14 : memref<128x128xf32, #tpu.memory_space<vmem>>) target(%dma_start3A_95 : memref<10000x128xf32, #tpu.memory_space<vmem_shared>>) offsets(%arg11 : memref<128xi32, #tpu.memory_space<vmem>>) semaphore(%run_scoped3A : memref<!tpu.dma_semaphore, #tpu.memory_space<semaphore_mem>>) {add = true}
        %dma_wait3A_96 = arith.constant 0 : i32
        %dma_wait3A_97 = arith.constant 0 : i32
        %dma_wait3A_98 = tpu.memref_slice %arg17[%dma_wait3A_96, %dma_wait3A_97] : memref<10000x128xf32, #tpu.memory_space<vmem_shared>> -> memref<10000x128xf32, #tpu.memory_space<vmem_shared>>
        tpu.wait_indirect_dma semaphore(%run_scoped3A : memref<!tpu.dma_semaphore, #tpu.memory_space<semaphore_mem>>) src(%arg14 : memref<128x128xf32, #tpu.memory_space<vmem>>) dst(%dma_wait3A_98 : memref<10000x128xf32, #tpu.memory_space<vmem_shared>>)
        tpu.yield
      }) : () -> ()
      %mul3A_54 = arith.constant 3 : i32
      %mul3A_55 = arith.muli %mul3A_54, %add3A_51 : i32
      %add3A_56 = arith.constant 0 : i32
      %add3A_57 = arith.addi %mul3A_55, %add3A_56 : i32
      %add3A_58 = arith.constant 3 : i32
      %add3A_59 = arith.addi %add3A_57, %add3A_58 : i32
      %lt3A_60 = arith.constant 78 : i32
      %lt3A_61 = arith.cmpi slt, %add3A_59, %lt3A_60 : i32
      %convert_element_type3A_62 = arith.extui %lt3A_61 : i1 to i32
      %cond3A_63 = arith.constant 0 : i32
      %cond3A_64 = arith.cmpi ne, %convert_element_type3A_62, %cond3A_63 : i32
      scf.if %cond3A_64 {
        %mul3A_93 = arith.constant 3 : i32
        %mul3A_94 = arith.muli %mul3A_93, %add3A_51 : i32
        %add3A_95 = arith.constant 0 : i32
        %add3A_96 = arith.addi %mul3A_94, %add3A_95 : i32
        %add3A_97 = arith.constant 3 : i32
        %add3A_98 = arith.addi %add3A_96, %add3A_97 : i32
        %add3A_99 = arith.addi %mul3A_2, %add3A_98 : i32
        %mul3A_100 = arith.constant 128 : i32
        %mul3A_101 = arith.muli %add3A_99, %mul3A_100 : i32
        "tpu.region"() ({
          %run_scoped3A = tpu.sem_alloc : memref<!tpu.dma_semaphore, #tpu.memory_space<semaphore_mem>>
          %dma_start3A_105 = tpu.memref_slice %arg5[%mul3A_101] : memref<320000xi32, #tpu.memory_space<hbm>> -> memref<128xi32, #tpu.memory_space<hbm>>
          %dma_start3A_106 = tpu.memref_slice %arg5[%mul3A_101] : memref<320000xi32, #tpu.memory_space<hbm>> -> memref<128xi32, #tpu.memory_space<hbm>>
          tpu.enqueue_dma source(%dma_start3A_106 : memref<128xi32, #tpu.memory_space<hbm>>) target(%arg8 : memref<128xi32, #tpu.memory_space<vmem>>) target_semaphore(%run_scoped3A : memref<!tpu.dma_semaphore, #tpu.memory_space<semaphore_mem>>)
          %dma_wait3A_107 = tpu.memref_slice %arg5[%mul3A_101] : memref<320000xi32, #tpu.memory_space<hbm>> -> memref<128xi32, #tpu.memory_space<hbm>>
          %dma_wait3A_108 = tpu.memref_slice %arg5[%mul3A_101] : memref<320000xi32, #tpu.memory_space<hbm>> -> memref<128xi32, #tpu.memory_space<hbm>>
          tpu.wait_dma2 semaphore(%run_scoped3A : memref<!tpu.dma_semaphore, #tpu.memory_space<semaphore_mem>>) src(%dma_wait3A_108 : memref<128xi32, #tpu.memory_space<hbm>>) dst(%arg8 : memref<128xi32, #tpu.memory_space<vmem>>)
          tpu.yield
        }) : () -> ()
        "tpu.region"() ({
          %run_scoped3A = tpu.sem_alloc : memref<!tpu.dma_semaphore, #tpu.memory_space<semaphore_mem>>
          %dma_start3A_105 = tpu.memref_slice %arg6[%mul3A_101] : memref<320000xi32, #tpu.memory_space<hbm>> -> memref<128xi32, #tpu.memory_space<hbm>>
          %dma_start3A_106 = tpu.memref_slice %arg6[%mul3A_101] : memref<320000xi32, #tpu.memory_space<hbm>> -> memref<128xi32, #tpu.memory_space<hbm>>
          tpu.enqueue_dma source(%dma_start3A_106 : memref<128xi32, #tpu.memory_space<hbm>>) target(%arg11 : memref<128xi32, #tpu.memory_space<vmem>>) target_semaphore(%run_scoped3A : memref<!tpu.dma_semaphore, #tpu.memory_space<semaphore_mem>>)
          %dma_wait3A_107 = tpu.memref_slice %arg6[%mul3A_101] : memref<320000xi32, #tpu.memory_space<hbm>> -> memref<128xi32, #tpu.memory_space<hbm>>
          %dma_wait3A_108 = tpu.memref_slice %arg6[%mul3A_101] : memref<320000xi32, #tpu.memory_space<hbm>> -> memref<128xi32, #tpu.memory_space<hbm>>
          tpu.wait_dma2 semaphore(%run_scoped3A : memref<!tpu.dma_semaphore, #tpu.memory_space<semaphore_mem>>) src(%dma_wait3A_108 : memref<128xi32, #tpu.memory_space<hbm>>) dst(%arg11 : memref<128xi32, #tpu.memory_space<vmem>>)
          tpu.yield
        }) : () -> ()
        %dma_start3A_102 = arith.constant 0 : i32
        %dma_start3A_103 = arith.constant 0 : i32
        %dma_start3A_104 = tpu.memref_slice %arg2[%dma_start3A_102, %dma_start3A_103] : memref<10000x128xf32, #tpu.memory_space<hbm>> -> memref<10000x128xf32, #tpu.memory_space<hbm>>
        tpu.enqueue_indirect_dma source(%dma_start3A_104 : memref<10000x128xf32, #tpu.memory_space<hbm>>) target(%arg14 : memref<128x128xf32, #tpu.memory_space<vmem>>) offsets(%arg8 : memref<128xi32, #tpu.memory_space<vmem>>) semaphore(%arg18 : memref<!tpu.dma_semaphore, #tpu.memory_space<semaphore_mem>>)
      } else {
      }
      %dma_wait3A_65 = arith.constant 0 : i32
      %dma_wait3A_66 = arith.constant 0 : i32
      %dma_wait3A_67 = tpu.memref_slice %arg2[%dma_wait3A_65, %dma_wait3A_66] : memref<10000x128xf32, #tpu.memory_space<hbm>> -> memref<10000x128xf32, #tpu.memory_space<hbm>>
      tpu.wait_indirect_dma semaphore(%arg19 : memref<!tpu.dma_semaphore, #tpu.memory_space<semaphore_mem>>) src(%dma_wait3A_67 : memref<10000x128xf32, #tpu.memory_space<hbm>>) dst(%arg15 : memref<128x128xf32, #tpu.memory_space<vmem>>)
      "tpu.region"() ({
        %run_scoped3A = tpu.sem_alloc : memref<!tpu.dma_semaphore, #tpu.memory_space<semaphore_mem>>
        %dma_start3A_93 = arith.constant 0 : i32
        %dma_start3A_94 = arith.constant 0 : i32
        %dma_start3A_95 = tpu.memref_slice %arg17[%dma_start3A_93, %dma_start3A_94] : memref<10000x128xf32, #tpu.memory_space<vmem_shared>> -> memref<10000x128xf32, #tpu.memory_space<vmem_shared>>
        tpu.enqueue_indirect_dma source(%arg15 : memref<128x128xf32, #tpu.memory_space<vmem>>) target(%dma_start3A_95 : memref<10000x128xf32, #tpu.memory_space<vmem_shared>>) offsets(%arg12 : memref<128xi32, #tpu.memory_space<vmem>>) semaphore(%run_scoped3A : memref<!tpu.dma_semaphore, #tpu.memory_space<semaphore_mem>>) {add = true}
        %dma_wait3A_96 = arith.constant 0 : i32
        %dma_wait3A_97 = arith.constant 0 : i32
        %dma_wait3A_98 = tpu.memref_slice %arg17[%dma_wait3A_96, %dma_wait3A_97] : memref<10000x128xf32, #tpu.memory_space<vmem_shared>> -> memref<10000x128xf32, #tpu.memory_space<vmem_shared>>
        tpu.wait_indirect_dma semaphore(%run_scoped3A : memref<!tpu.dma_semaphore, #tpu.memory_space<semaphore_mem>>) src(%arg15 : memref<128x128xf32, #tpu.memory_space<vmem>>) dst(%dma_wait3A_98 : memref<10000x128xf32, #tpu.memory_space<vmem_shared>>)
        tpu.yield
      }) : () -> ()
      %mul3A_68 = arith.constant 3 : i32
      %mul3A_69 = arith.muli %mul3A_68, %add3A_51 : i32
      %add3A_70 = arith.constant 1 : i32
      %add3A_71 = arith.addi %mul3A_69, %add3A_70 : i32
      %add3A_72 = arith.constant 3 : i32
      %add3A_73 = arith.addi %add3A_71, %add3A_72 : i32
      %lt3A_74 = arith.constant 78 : i32
      %lt3A_75 = arith.cmpi slt, %add3A_73, %lt3A_74 : i32
      %convert_element_type3A_76 = arith.extui %lt3A_75 : i1 to i32
      %cond3A_77 = arith.constant 0 : i32
      %cond3A_78 = arith.cmpi ne, %convert_element_type3A_76, %cond3A_77 : i32
      scf.if %cond3A_78 {
        %mul3A_93 = arith.constant 3 : i32
        %mul3A_94 = arith.muli %mul3A_93, %add3A_51 : i32
        %add3A_95 = arith.constant 1 : i32
        %add3A_96 = arith.addi %mul3A_94, %add3A_95 : i32
        %add3A_97 = arith.constant 3 : i32
        %add3A_98 = arith.addi %add3A_96, %add3A_97 : i32
        %add3A_99 = arith.addi %mul3A_2, %add3A_98 : i32
        %mul3A_100 = arith.constant 128 : i32
        %mul3A_101 = arith.muli %add3A_99, %mul3A_100 : i32
        "tpu.region"() ({
          %run_scoped3A = tpu.sem_alloc : memref<!tpu.dma_semaphore, #tpu.memory_space<semaphore_mem>>
          %dma_start3A_105 = tpu.memref_slice %arg5[%mul3A_101] : memref<320000xi32, #tpu.memory_space<hbm>> -> memref<128xi32, #tpu.memory_space<hbm>>
          %dma_start3A_106 = tpu.memref_slice %arg5[%mul3A_101] : memref<320000xi32, #tpu.memory_space<hbm>> -> memref<128xi32, #tpu.memory_space<hbm>>
          tpu.enqueue_dma source(%dma_start3A_106 : memref<128xi32, #tpu.memory_space<hbm>>) target(%arg9 : memref<128xi32, #tpu.memory_space<vmem>>) target_semaphore(%run_scoped3A : memref<!tpu.dma_semaphore, #tpu.memory_space<semaphore_mem>>)
          %dma_wait3A_107 = tpu.memref_slice %arg5[%mul3A_101] : memref<320000xi32, #tpu.memory_space<hbm>> -> memref<128xi32, #tpu.memory_space<hbm>>
          %dma_wait3A_108 = tpu.memref_slice %arg5[%mul3A_101] : memref<320000xi32, #tpu.memory_space<hbm>> -> memref<128xi32, #tpu.memory_space<hbm>>
          tpu.wait_dma2 semaphore(%run_scoped3A : memref<!tpu.dma_semaphore, #tpu.memory_space<semaphore_mem>>) src(%dma_wait3A_108 : memref<128xi32, #tpu.memory_space<hbm>>) dst(%arg9 : memref<128xi32, #tpu.memory_space<vmem>>)
          tpu.yield
        }) : () -> ()
        "tpu.region"() ({
          %run_scoped3A = tpu.sem_alloc : memref<!tpu.dma_semaphore, #tpu.memory_space<semaphore_mem>>
          %dma_start3A_105 = tpu.memref_slice %arg6[%mul3A_101] : memref<320000xi32, #tpu.memory_space<hbm>> -> memref<128xi32, #tpu.memory_space<hbm>>
          %dma_start3A_106 = tpu.memref_slice %arg6[%mul3A_101] : memref<320000xi32, #tpu.memory_space<hbm>> -> memref<128xi32, #tpu.memory_space<hbm>>
          tpu.enqueue_dma source(%dma_start3A_106 : memref<128xi32, #tpu.memory_space<hbm>>) target(%arg12 : memref<128xi32, #tpu.memory_space<vmem>>) target_semaphore(%run_scoped3A : memref<!tpu.dma_semaphore, #tpu.memory_space<semaphore_mem>>)
          %dma_wait3A_107 = tpu.memref_slice %arg6[%mul3A_101] : memref<320000xi32, #tpu.memory_space<hbm>> -> memref<128xi32, #tpu.memory_space<hbm>>
          %dma_wait3A_108 = tpu.memref_slice %arg6[%mul3A_101] : memref<320000xi32, #tpu.memory_space<hbm>> -> memref<128xi32, #tpu.memory_space<hbm>>
          tpu.wait_dma2 semaphore(%run_scoped3A : memref<!tpu.dma_semaphore, #tpu.memory_space<semaphore_mem>>) src(%dma_wait3A_108 : memref<128xi32, #tpu.memory_space<hbm>>) dst(%arg12 : memref<128xi32, #tpu.memory_space<vmem>>)
          tpu.yield
        }) : () -> ()
        %dma_start3A_102 = arith.constant 0 : i32
        %dma_start3A_103 = arith.constant 0 : i32
        %dma_start3A_104 = tpu.memref_slice %arg2[%dma_start3A_102, %dma_start3A_103] : memref<10000x128xf32, #tpu.memory_space<hbm>> -> memref<10000x128xf32, #tpu.memory_space<hbm>>
        tpu.enqueue_indirect_dma source(%dma_start3A_104 : memref<10000x128xf32, #tpu.memory_space<hbm>>) target(%arg15 : memref<128x128xf32, #tpu.memory_space<vmem>>) offsets(%arg9 : memref<128xi32, #tpu.memory_space<vmem>>) semaphore(%arg19 : memref<!tpu.dma_semaphore, #tpu.memory_space<semaphore_mem>>)
      } else {
      }
      %dma_wait3A_79 = arith.constant 0 : i32
      %dma_wait3A_80 = arith.constant 0 : i32
      %dma_wait3A_81 = tpu.memref_slice %arg2[%dma_wait3A_79, %dma_wait3A_80] : memref<10000x128xf32, #tpu.memory_space<hbm>> -> memref<10000x128xf32, #tpu.memory_space<hbm>>
      tpu.wait_indirect_dma semaphore(%arg20 : memref<!tpu.dma_semaphore, #tpu.memory_space<semaphore_mem>>) src(%dma_wait3A_81 : memref<10000x128xf32, #tpu.memory_space<hbm>>) dst(%arg16 : memref<128x128xf32, #tpu.memory_space<vmem>>)
      "tpu.region"() ({
        %run_scoped3A = tpu.sem_alloc : memref<!tpu.dma_semaphore, #tpu.memory_space<semaphore_mem>>
        %dma_start3A_93 = arith.constant 0 : i32
        %dma_start3A_94 = arith.constant 0 : i32
        %dma_start3A_95 = tpu.memref_slice %arg17[%dma_start3A_93, %dma_start3A_94] : memref<10000x128xf32, #tpu.memory_space<vmem_shared>> -> memref<10000x128xf32, #tpu.memory_space<vmem_shared>>
        tpu.enqueue_indirect_dma source(%arg16 : memref<128x128xf32, #tpu.memory_space<vmem>>) target(%dma_start3A_95 : memref<10000x128xf32, #tpu.memory_space<vmem_shared>>) offsets(%arg13 : memref<128xi32, #tpu.memory_space<vmem>>) semaphore(%run_scoped3A : memref<!tpu.dma_semaphore, #tpu.memory_space<semaphore_mem>>) {add = true}
        %dma_wait3A_96 = arith.constant 0 : i32
        %dma_wait3A_97 = arith.constant 0 : i32
        %dma_wait3A_98 = tpu.memref_slice %arg17[%dma_wait3A_96, %dma_wait3A_97] : memref<10000x128xf32, #tpu.memory_space<vmem_shared>> -> memref<10000x128xf32, #tpu.memory_space<vmem_shared>>
        tpu.wait_indirect_dma semaphore(%run_scoped3A : memref<!tpu.dma_semaphore, #tpu.memory_space<semaphore_mem>>) src(%arg16 : memref<128x128xf32, #tpu.memory_space<vmem>>) dst(%dma_wait3A_98 : memref<10000x128xf32, #tpu.memory_space<vmem_shared>>)
        tpu.yield
      }) : () -> ()
      %mul3A_82 = arith.constant 3 : i32
      %mul3A_83 = arith.muli %mul3A_82, %add3A_51 : i32
      %add3A_84 = arith.constant 2 : i32
      %add3A_85 = arith.addi %mul3A_83, %add3A_84 : i32
      %add3A_86 = arith.constant 3 : i32
      %add3A_87 = arith.addi %add3A_85, %add3A_86 : i32
      %lt3A_88 = arith.constant 78 : i32
      %lt3A_89 = arith.cmpi slt, %add3A_87, %lt3A_88 : i32
      %convert_element_type3A_90 = arith.extui %lt3A_89 : i1 to i32
      %cond3A_91 = arith.constant 0 : i32
      %cond3A_92 = arith.cmpi ne, %convert_element_type3A_90, %cond3A_91 : i32
      scf.if %cond3A_92 {
        %mul3A_93 = arith.constant 3 : i32
        %mul3A_94 = arith.muli %mul3A_93, %add3A_51 : i32
        %add3A_95 = arith.constant 2 : i32
        %add3A_96 = arith.addi %mul3A_94, %add3A_95 : i32
        %add3A_97 = arith.constant 3 : i32
        %add3A_98 = arith.addi %add3A_96, %add3A_97 : i32
        %add3A_99 = arith.addi %mul3A_2, %add3A_98 : i32
        %mul3A_100 = arith.constant 128 : i32
        %mul3A_101 = arith.muli %add3A_99, %mul3A_100 : i32
        "tpu.region"() ({
          %run_scoped3A = tpu.sem_alloc : memref<!tpu.dma_semaphore, #tpu.memory_space<semaphore_mem>>
          %dma_start3A_105 = tpu.memref_slice %arg5[%mul3A_101] : memref<320000xi32, #tpu.memory_space<hbm>> -> memref<128xi32, #tpu.memory_space<hbm>>
          %dma_start3A_106 = tpu.memref_slice %arg5[%mul3A_101] : memref<320000xi32, #tpu.memory_space<hbm>> -> memref<128xi32, #tpu.memory_space<hbm>>
          tpu.enqueue_dma source(%dma_start3A_106 : memref<128xi32, #tpu.memory_space<hbm>>) target(%arg10 : memref<128xi32, #tpu.memory_space<vmem>>) target_semaphore(%run_scoped3A : memref<!tpu.dma_semaphore, #tpu.memory_space<semaphore_mem>>)
          %dma_wait3A_107 = tpu.memref_slice %arg5[%mul3A_101] : memref<320000xi32, #tpu.memory_space<hbm>> -> memref<128xi32, #tpu.memory_space<hbm>>
          %dma_wait3A_108 = tpu.memref_slice %arg5[%mul3A_101] : memref<320000xi32, #tpu.memory_space<hbm>> -> memref<128xi32, #tpu.memory_space<hbm>>
          tpu.wait_dma2 semaphore(%run_scoped3A : memref<!tpu.dma_semaphore, #tpu.memory_space<semaphore_mem>>) src(%dma_wait3A_108 : memref<128xi32, #tpu.memory_space<hbm>>) dst(%arg10 : memref<128xi32, #tpu.memory_space<vmem>>)
          tpu.yield
        }) : () -> ()
        "tpu.region"() ({
          %run_scoped3A = tpu.sem_alloc : memref<!tpu.dma_semaphore, #tpu.memory_space<semaphore_mem>>
          %dma_start3A_105 = tpu.memref_slice %arg6[%mul3A_101] : memref<320000xi32, #tpu.memory_space<hbm>> -> memref<128xi32, #tpu.memory_space<hbm>>
          %dma_start3A_106 = tpu.memref_slice %arg6[%mul3A_101] : memref<320000xi32, #tpu.memory_space<hbm>> -> memref<128xi32, #tpu.memory_space<hbm>>
          tpu.enqueue_dma source(%dma_start3A_106 : memref<128xi32, #tpu.memory_space<hbm>>) target(%arg13 : memref<128xi32, #tpu.memory_space<vmem>>) target_semaphore(%run_scoped3A : memref<!tpu.dma_semaphore, #tpu.memory_space<semaphore_mem>>)
          %dma_wait3A_107 = tpu.memref_slice %arg6[%mul3A_101] : memref<320000xi32, #tpu.memory_space<hbm>> -> memref<128xi32, #tpu.memory_space<hbm>>
          %dma_wait3A_108 = tpu.memref_slice %arg6[%mul3A_101] : memref<320000xi32, #tpu.memory_space<hbm>> -> memref<128xi32, #tpu.memory_space<hbm>>
          tpu.wait_dma2 semaphore(%run_scoped3A : memref<!tpu.dma_semaphore, #tpu.memory_space<semaphore_mem>>) src(%dma_wait3A_108 : memref<128xi32, #tpu.memory_space<hbm>>) dst(%arg13 : memref<128xi32, #tpu.memory_space<vmem>>)
          tpu.yield
        }) : () -> ()
        %dma_start3A_102 = arith.constant 0 : i32
        %dma_start3A_103 = arith.constant 0 : i32
        %dma_start3A_104 = tpu.memref_slice %arg2[%dma_start3A_102, %dma_start3A_103] : memref<10000x128xf32, #tpu.memory_space<hbm>> -> memref<10000x128xf32, #tpu.memory_space<hbm>>
        tpu.enqueue_indirect_dma source(%dma_start3A_104 : memref<10000x128xf32, #tpu.memory_space<hbm>>) target(%arg16 : memref<128x128xf32, #tpu.memory_space<vmem>>) offsets(%arg10 : memref<128xi32, #tpu.memory_space<vmem>>) semaphore(%arg20 : memref<!tpu.dma_semaphore, #tpu.memory_space<semaphore_mem>>)
      } else {
      }
    }
    %scan3A_38 = arith.constant 26 : i32
    %lt3A = arith.constant 4 : i32
    %lt3A_39 = arith.cmpi slt, %add3A, %lt3A : i32
    %convert_element_type3A = arith.extui %lt3A_39 : i1 to i32
    %cond3A = arith.constant 0 : i32
    %cond3A_40 = arith.cmpi ne, %convert_element_type3A, %cond3A : i32
    scf.if %cond3A_40 {
      %mul3A_47 = arith.constant 128 : i32
      %mul3A_48 = arith.muli %add3A, %mul3A_47 : i32
      %add3A_49 = arith.constant 319488 : i32
      %add3A_50 = arith.addi %add3A_49, %mul3A_48 : i32
      "tpu.region"() ({
        %run_scoped3A = tpu.sem_alloc : memref<!tpu.dma_semaphore, #tpu.memory_space<semaphore_mem>>
        %dma_start3A_51 = tpu.memref_slice %arg5[%add3A_50] : memref<320000xi32, #tpu.memory_space<hbm>> -> memref<128xi32, #tpu.memory_space<hbm>>
        %dma_start3A_52 = tpu.memref_slice %arg5[%add3A_50] : memref<320000xi32, #tpu.memory_space<hbm>> -> memref<128xi32, #tpu.memory_space<hbm>>
        tpu.enqueue_dma source(%dma_start3A_52 : memref<128xi32, #tpu.memory_space<hbm>>) target(%arg8 : memref<128xi32, #tpu.memory_space<vmem>>) target_semaphore(%run_scoped3A : memref<!tpu.dma_semaphore, #tpu.memory_space<semaphore_mem>>)
        %dma_wait3A = tpu.memref_slice %arg5[%add3A_50] : memref<320000xi32, #tpu.memory_space<hbm>> -> memref<128xi32, #tpu.memory_space<hbm>>
        %dma_wait3A_53 = tpu.memref_slice %arg5[%add3A_50] : memref<320000xi32, #tpu.memory_space<hbm>> -> memref<128xi32, #tpu.memory_space<hbm>>
        tpu.wait_dma2 semaphore(%run_scoped3A : memref<!tpu.dma_semaphore, #tpu.memory_space<semaphore_mem>>) src(%dma_wait3A_53 : memref<128xi32, #tpu.memory_space<hbm>>) dst(%arg8 : memref<128xi32, #tpu.memory_space<vmem>>)
        tpu.yield
      }) : () -> ()
      "tpu.region"() ({
        %run_scoped3A = tpu.sem_alloc : memref<!tpu.dma_semaphore, #tpu.memory_space<semaphore_mem>>
        %dma_start3A_51 = tpu.memref_slice %arg6[%add3A_50] : memref<320000xi32, #tpu.memory_space<hbm>> -> memref<128xi32, #tpu.memory_space<hbm>>
        %dma_start3A_52 = tpu.memref_slice %arg6[%add3A_50] : memref<320000xi32, #tpu.memory_space<hbm>> -> memref<128xi32, #tpu.memory_space<hbm>>
        tpu.enqueue_dma source(%dma_start3A_52 : memref<128xi32, #tpu.memory_space<hbm>>) target(%arg11 : memref<128xi32, #tpu.memory_space<vmem>>) target_semaphore(%run_scoped3A : memref<!tpu.dma_semaphore, #tpu.memory_space<semaphore_mem>>)
        %dma_wait3A = tpu.memref_slice %arg6[%add3A_50] : memref<320000xi32, #tpu.memory_space<hbm>> -> memref<128xi32, #tpu.memory_space<hbm>>
        %dma_wait3A_53 = tpu.memref_slice %arg6[%add3A_50] : memref<320000xi32, #tpu.memory_space<hbm>> -> memref<128xi32, #tpu.memory_space<hbm>>
        tpu.wait_dma2 semaphore(%run_scoped3A : memref<!tpu.dma_semaphore, #tpu.memory_space<semaphore_mem>>) src(%dma_wait3A_53 : memref<128xi32, #tpu.memory_space<hbm>>) dst(%arg11 : memref<128xi32, #tpu.memory_space<vmem>>)
        tpu.yield
      }) : () -> ()
      "tpu.region"() ({
        %run_scoped3A = tpu.sem_alloc : memref<!tpu.dma_semaphore, #tpu.memory_space<semaphore_mem>>
        %dma_start3A_51 = arith.constant 0 : i32
        %dma_start3A_52 = arith.constant 0 : i32
        %dma_start3A_53 = tpu.memref_slice %arg2[%dma_start3A_51, %dma_start3A_52] : memref<10000x128xf32, #tpu.memory_space<hbm>> -> memref<10000x128xf32, #tpu.memory_space<hbm>>
        tpu.enqueue_indirect_dma source(%dma_start3A_53 : memref<10000x128xf32, #tpu.memory_space<hbm>>) target(%arg14 : memref<128x128xf32, #tpu.memory_space<vmem>>) offsets(%arg8 : memref<128xi32, #tpu.memory_space<vmem>>) semaphore(%run_scoped3A : memref<!tpu.dma_semaphore, #tpu.memory_space<semaphore_mem>>)
        %dma_wait3A = arith.constant 0 : i32
        %dma_wait3A_54 = arith.constant 0 : i32
        %dma_wait3A_55 = tpu.memref_slice %arg2[%dma_wait3A, %dma_wait3A_54] : memref<10000x128xf32, #tpu.memory_space<hbm>> -> memref<10000x128xf32, #tpu.memory_space<hbm>>
        tpu.wait_indirect_dma semaphore(%run_scoped3A : memref<!tpu.dma_semaphore, #tpu.memory_space<semaphore_mem>>) src(%dma_wait3A_55 : memref<10000x128xf32, #tpu.memory_space<hbm>>) dst(%arg14 : memref<128x128xf32, #tpu.memory_space<vmem>>)
        tpu.yield
      }) : () -> ()
      "tpu.region"() ({
        %run_scoped3A = tpu.sem_alloc : memref<!tpu.dma_semaphore, #tpu.memory_space<semaphore_mem>>
        %dma_start3A_51 = arith.constant 0 : i32
        %dma_start3A_52 = arith.constant 0 : i32
        %dma_start3A_53 = tpu.memref_slice %arg17[%dma_start3A_51, %dma_start3A_52] : memref<10000x128xf32, #tpu.memory_space<vmem_shared>> -> memref<10000x128xf32, #tpu.memory_space<vmem_shared>>
        tpu.enqueue_indirect_dma source(%arg14 : memref<128x128xf32, #tpu.memory_space<vmem>>) target(%dma_start3A_53 : memref<10000x128xf32, #tpu.memory_space<vmem_shared>>) offsets(%arg11 : memref<128xi32, #tpu.memory_space<vmem>>) semaphore(%run_scoped3A : memref<!tpu.dma_semaphore, #tpu.memory_space<semaphore_mem>>) {add = true}
        %dma_wait3A = arith.constant 0 : i32
        %dma_wait3A_54 = arith.constant 0 : i32
        %dma_wait3A_55 = tpu.memref_slice %arg17[%dma_wait3A, %dma_wait3A_54] : memref<10000x128xf32, #tpu.memory_space<vmem_shared>> -> memref<10000x128xf32, #tpu.memory_space<vmem_shared>>
        tpu.wait_indirect_dma semaphore(%run_scoped3A : memref<!tpu.dma_semaphore, #tpu.memory_space<semaphore_mem>>) src(%arg14 : memref<128x128xf32, #tpu.memory_space<vmem>>) dst(%dma_wait3A_55 : memref<10000x128xf32, #tpu.memory_space<vmem_shared>>)
        tpu.yield
      }) : () -> ()
    } else {
    }
    %barrier3A_41 = arith.constant 0 : index
    tpu.barrier barrier_id(%barrier3A_41)
    %lt3A_42 = arith.constant 10 : i32
    %lt3A_43 = arith.cmpi slt, %arg1, %lt3A_42 : i32
    %convert_element_type3A_44 = arith.extui %lt3A_43 : i1 to i32
    %cond3A_45 = arith.constant 0 : i32
    %cond3A_46 = arith.cmpi ne, %convert_element_type3A_44, %cond3A_45 : i32
    scf.if %cond3A_46 {
      %mul3A_47 = arith.constant 1000 : i32
      %mul3A_48 = arith.muli %arg1, %mul3A_47 : i32
      "tpu.region"() ({
        %run_scoped3A = tpu.sem_alloc : memref<!tpu.dma_semaphore, #tpu.memory_space<semaphore_mem>>
        %dma_start3A_49 = arith.constant 0 : i32
        %dma_start3A_50 = tpu.memref_slice %arg7[%arg0, %mul3A_48, %dma_start3A_49] : memref<2x10000x128xf32, #tpu.memory_space<hbm>> -> memref<1x1000x128xf32, #tpu.memory_space<hbm>>
        %dma_start3A_51 = tpu.memref_squeeze %dma_start3A_50 : memref<1x1000x128xf32, #tpu.memory_space<hbm>> -> memref<1000x128xf32, #tpu.memory_space<hbm>>
        %dma_start3A_52 = arith.constant 0 : i32
        %dma_start3A_53 = tpu.memref_slice %arg17[%mul3A_48, %dma_start3A_52] : memref<10000x128xf32, #tpu.memory_space<vmem_shared>> -> memref<1000x128xf32, #tpu.memory_space<vmem_shared>>
        tpu.enqueue_dma source(%dma_start3A_53 : memref<1000x128xf32, #tpu.memory_space<vmem_shared>>) target(%dma_start3A_51 : memref<1000x128xf32, #tpu.memory_space<hbm>>) target_semaphore(%run_scoped3A : memref<!tpu.dma_semaphore, #tpu.memory_space<semaphore_mem>>)
        %dma_wait3A = arith.constant 0 : i32
        %dma_wait3A_54 = tpu.memref_slice %arg7[%arg0, %mul3A_48, %dma_wait3A] : memref<2x10000x128xf32, #tpu.memory_space<hbm>> -> memref<1x1000x128xf32, #tpu.memory_space<hbm>>
        %dma_wait3A_55 = tpu.memref_squeeze %dma_wait3A_54 : memref<1x1000x128xf32, #tpu.memory_space<hbm>> -> memref<1000x128xf32, #tpu.memory_space<hbm>>
        %dma_wait3A_56 = arith.constant 0 : i32
        %dma_wait3A_57 = tpu.memref_slice %arg17[%mul3A_48, %dma_wait3A_56] : memref<10000x128xf32, #tpu.memory_space<vmem_shared>> -> memref<1000x128xf32, #tpu.memory_space<vmem_shared>>
        tpu.wait_dma2 semaphore(%run_scoped3A : memref<!tpu.dma_semaphore, #tpu.memory_space<semaphore_mem>>) src(%dma_wait3A_57 : memref<1000x128xf32, #tpu.memory_space<vmem_shared>>) dst(%dma_wait3A_55 : memref<1000x128xf32, #tpu.memory_space<hbm>>)
        tpu.yield
      }) : () -> ()
    } else {
    }
    return
  }
}

#map = affine_map<(d0, d1) -> (0, 0, 0)>
#map1 = affine_map<(d0, d1) -> (0)>
module attributes {stable_mosaic.version = 14 : i64} {
  func.func @_deg_body(%arg0: i32, %arg1: i32, %arg2: memref<32x78x128xi32, #tpu.memory_space<hbm>>, %arg3: memref<320000xi32, #tpu.memory_space<hbm>>, %arg4: memref<2x10000x16xf32, #tpu.memory_space<hbm>>, %arg5: memref<78x128xi32, #tpu.memory_space<vmem>>, %arg6: memref<128xi32, #tpu.memory_space<vmem>>, %arg7: memref<128x16xf32, #tpu.memory_space<vmem>>, %arg8: memref<125x16xf32, #tpu.memory_space<vmem>>, %arg9: memref<10000x16xf32, #tpu.memory_space<vmem_shared>>, %arg10: memref<!tpu.dma_semaphore, #tpu.memory_space<semaphore_mem>>) attributes {dimension_semantics = [#tpu.dimension_semantics<core_parallel>, #tpu.dimension_semantics<subcore_parallel>], iteration_bounds = array<i64: 2, 16>, scalar_prefetch = 0 : i64, scratch_operands = 6 : i64, tpu.core_type = #tpu.core_type<sc_vector_subcore>, window_params = [{transform_indices = #map}, {transform_indices = #map1}, {transform_indices = #map}]} {
    %mul3A = arith.constant 16 : i32
    %mul3A_0 = arith.muli %arg0, %mul3A : i32
    %add3A = arith.addi %mul3A_0, %arg1 : i32
    %mul3A_1 = arith.constant 78 : i32
    %mul3A_2 = arith.muli %add3A, %mul3A_1 : i32
    %scan3A = arith.constant 0 : i32
    %scan3A_3 = arith.constant 128 : i32
    %scan3A_4 = arith.addi %scan3A, %scan3A_3 : i32
    %scan3A_5 = arith.constant 1 : i32
    scf.for %scan3A_32 = %scan3A to %scan3A_4 step %scan3A_5  : i32 {
      %mul3A_33 = arith.constant 1 : i32
      %mul3A_34 = arith.muli %scan3A_32, %mul3A_33 : i32
      %add3A_35 = arith.constant 0 : i32
      %add3A_36 = arith.addi %add3A_35, %mul3A_34 : i32
      %broadcast_in_dim3A = arith.constant 1.000000e+00 : f32
      %broadcast_in_dim3A_37 = vector.broadcast %broadcast_in_dim3A : f32 to vector<16xf32>
      %swap3A = arith.index_cast %add3A_36 : i32 to index
      %swap3A_38 = arith.constant 0 : index
      %swap3A_39 = tpu.vector_load %arg7[%swap3A, %swap3A_38] {strides = array<i32>} : memref<128x16xf32, #tpu.memory_space<vmem>>, vector<1x16xf32>,
      %swap3A_40 = vector.shape_cast %swap3A_39 : vector<1x16xf32> to vector<16xf32>
      %swap3A_41 = vector.shape_cast %broadcast_in_dim3A_37 : vector<16xf32> to vector<1x16xf32>
      tpu.vector_store %arg7[%swap3A, %swap3A_38], %swap3A_41 {strides = array<i32>} : memref<128x16xf32, #tpu.memory_space<vmem>>, vector<1x16xf32>,
    }
    %scan3A_6 = arith.constant 128 : i32
    %scan3A_7 = arith.constant 0 : i32
    %scan3A_8 = arith.constant 125 : i32
    %scan3A_9 = arith.addi %scan3A_7, %scan3A_8 : i32
    %scan3A_10 = arith.constant 1 : i32
    scf.for %scan3A_32 = %scan3A_7 to %scan3A_9 step %scan3A_10  : i32 {
      %mul3A_33 = arith.constant 1 : i32
      %mul3A_34 = arith.muli %scan3A_32, %mul3A_33 : i32
      %add3A_35 = arith.constant 0 : i32
      %add3A_36 = arith.addi %add3A_35, %mul3A_34 : i32
      %broadcast_in_dim3A = arith.constant 0.000000e+00 : f32
      %broadcast_in_dim3A_37 = vector.broadcast %broadcast_in_dim3A : f32 to vector<16xf32>
      %swap3A = arith.index_cast %add3A_36 : i32 to index
      %swap3A_38 = arith.constant 0 : index
      %swap3A_39 = tpu.vector_load %arg8[%swap3A, %swap3A_38] {strides = array<i32>} : memref<125x16xf32, #tpu.memory_space<vmem>>, vector<1x16xf32>,
      %swap3A_40 = vector.shape_cast %swap3A_39 : vector<1x16xf32> to vector<16xf32>
      %swap3A_41 = vector.shape_cast %broadcast_in_dim3A_37 : vector<16xf32> to vector<1x16xf32>
      tpu.vector_store %arg8[%swap3A, %swap3A_38], %swap3A_41 {strides = array<i32>} : memref<125x16xf32, #tpu.memory_space<vmem>>, vector<1x16xf32>,
    }
    %scan3A_11 = arith.constant 125 : i32
    %mul3A_12 = arith.constant 625 : i32
    %mul3A_13 = arith.muli %arg1, %mul3A_12 : i32
    %scan3A_14 = arith.constant 0 : i32
    %scan3A_15 = arith.constant 5 : i32
    %scan3A_16 = arith.addi %scan3A_14, %scan3A_15 : i32
    %scan3A_17 = arith.constant 1 : i32
    scf.for %scan3A_32 = %scan3A_14 to %scan3A_16 step %scan3A_17  : i32 {
      %mul3A_33 = arith.constant 1 : i32
      %mul3A_34 = arith.muli %scan3A_32, %mul3A_33 : i32
      %add3A_35 = arith.constant 0 : i32
      %add3A_36 = arith.addi %add3A_35, %mul3A_34 : i32
      %mul3A_37 = arith.constant 125 : i32
      %mul3A_38 = arith.muli %add3A_36, %mul3A_37 : i32
      %add3A_39 = arith.addi %mul3A_13, %mul3A_38 : i32
      "tpu.region"() ({
        %run_scoped3A = tpu.sem_alloc : memref<!tpu.dma_semaphore, #tpu.memory_space<semaphore_mem>>
        %dma_start3A = arith.constant 0 : i32
        %dma_start3A_40 = tpu.memref_slice %arg9[%add3A_39, %dma_start3A] : memref<10000x16xf32, #tpu.memory_space<vmem_shared>> -> memref<125x16xf32, #tpu.memory_space<vmem_shared>>
        %dma_start3A_41 = arith.constant 0 : i32
        %dma_start3A_42 = tpu.memref_slice %arg9[%add3A_39, %dma_start3A_41] : memref<10000x16xf32, #tpu.memory_space<vmem_shared>> -> memref<125x16xf32, #tpu.memory_space<vmem_shared>>
        tpu.enqueue_dma source(%arg8 : memref<125x16xf32, #tpu.memory_space<vmem>>) target(%dma_start3A_42 : memref<125x16xf32, #tpu.memory_space<vmem_shared>>) target_semaphore(%run_scoped3A : memref<!tpu.dma_semaphore, #tpu.memory_space<semaphore_mem>>)
        %dma_wait3A = arith.constant 0 : i32
        %dma_wait3A_43 = tpu.memref_slice %arg9[%add3A_39, %dma_wait3A] : memref<10000x16xf32, #tpu.memory_space<vmem_shared>> -> memref<125x16xf32, #tpu.memory_space<vmem_shared>>
        %dma_wait3A_44 = arith.constant 0 : i32
        %dma_wait3A_45 = tpu.memref_slice %arg9[%add3A_39, %dma_wait3A_44] : memref<10000x16xf32, #tpu.memory_space<vmem_shared>> -> memref<125x16xf32, #tpu.memory_space<vmem_shared>>
        tpu.wait_dma2 semaphore(%run_scoped3A : memref<!tpu.dma_semaphore, #tpu.memory_space<semaphore_mem>>) src(%arg8 : memref<125x16xf32, #tpu.memory_space<vmem>>) dst(%dma_wait3A_45 : memref<125x16xf32, #tpu.memory_space<vmem_shared>>)
        tpu.yield
      }) : () -> ()
    }
    %scan3A_18 = arith.constant 5 : i32
    "tpu.region"() ({
      %run_scoped3A = tpu.sem_alloc : memref<!tpu.dma_semaphore, #tpu.memory_space<semaphore_mem>>
      %dma_start3A = arith.constant 0 : i32
      %dma_start3A_32 = arith.constant 0 : i32
      %dma_start3A_33 = tpu.memref_slice %arg2[%add3A, %dma_start3A, %dma_start3A_32] : memref<32x78x128xi32, #tpu.memory_space<hbm>> -> memref<1x78x128xi32, #tpu.memory_space<hbm>>
      %dma_start3A_34 = tpu.memref_squeeze %dma_start3A_33 : memref<1x78x128xi32, #tpu.memory_space<hbm>> -> memref<78x128xi32, #tpu.memory_space<hbm>>
      %dma_start3A_35 = arith.constant 0 : i32
      %dma_start3A_36 = arith.constant 0 : i32
      %dma_start3A_37 = tpu.memref_slice %arg2[%add3A, %dma_start3A_35, %dma_start3A_36] : memref<32x78x128xi32, #tpu.memory_space<hbm>> -> memref<1x78x128xi32, #tpu.memory_space<hbm>>
      %dma_start3A_38 = tpu.memref_squeeze %dma_start3A_37 : memref<1x78x128xi32, #tpu.memory_space<hbm>> -> memref<78x128xi32, #tpu.memory_space<hbm>>
      tpu.enqueue_dma source(%dma_start3A_38 : memref<78x128xi32, #tpu.memory_space<hbm>>) target(%arg5 : memref<78x128xi32, #tpu.memory_space<vmem>>) target_semaphore(%run_scoped3A : memref<!tpu.dma_semaphore, #tpu.memory_space<semaphore_mem>>)
      %dma_wait3A = arith.constant 0 : i32
      %dma_wait3A_39 = arith.constant 0 : i32
      %dma_wait3A_40 = tpu.memref_slice %arg2[%add3A, %dma_wait3A, %dma_wait3A_39] : memref<32x78x128xi32, #tpu.memory_space<hbm>> -> memref<1x78x128xi32, #tpu.memory_space<hbm>>
      %dma_wait3A_41 = tpu.memref_squeeze %dma_wait3A_40 : memref<1x78x128xi32, #tpu.memory_space<hbm>> -> memref<78x128xi32, #tpu.memory_space<hbm>>
      %dma_wait3A_42 = arith.constant 0 : i32
      %dma_wait3A_43 = arith.constant 0 : i32
      %dma_wait3A_44 = tpu.memref_slice %arg2[%add3A, %dma_wait3A_42, %dma_wait3A_43] : memref<32x78x128xi32, #tpu.memory_space<hbm>> -> memref<1x78x128xi32, #tpu.memory_space<hbm>>
      %dma_wait3A_45 = tpu.memref_squeeze %dma_wait3A_44 : memref<1x78x128xi32, #tpu.memory_space<hbm>> -> memref<78x128xi32, #tpu.memory_space<hbm>>
      tpu.wait_dma2 semaphore(%run_scoped3A : memref<!tpu.dma_semaphore, #tpu.memory_space<semaphore_mem>>) src(%dma_wait3A_45 : memref<78x128xi32, #tpu.memory_space<hbm>>) dst(%arg5 : memref<78x128xi32, #tpu.memory_space<vmem>>)
      tpu.yield
    }) : () -> ()
    %barrier3A = arith.constant 0 : index
    tpu.barrier barrier_id(%barrier3A)
    %scan3A_19 = arith.constant 0 : i32
    %scan3A_20 = arith.constant 78 : i32
    %scan3A_21 = arith.addi %scan3A_19, %scan3A_20 : i32
    %scan3A_22 = arith.constant 1 : i32
    scf.for %scan3A_32 = %scan3A_19 to %scan3A_21 step %scan3A_22  : i32 {
      %mul3A_33 = arith.constant 1 : i32
      %mul3A_34 = arith.muli %scan3A_32, %mul3A_33 : i32
      %add3A_35 = arith.constant 0 : i32
      %add3A_36 = arith.addi %add3A_35, %mul3A_34 : i32
      "tpu.region"() ({
        %run_scoped3A = tpu.sem_alloc : memref<!tpu.dma_semaphore, #tpu.memory_space<semaphore_mem>>
        %dma_start3A = arith.constant 0 : i32
        %dma_start3A_37 = tpu.memref_slice %arg5[%add3A_36, %dma_start3A] : memref<78x128xi32, #tpu.memory_space<vmem>> -> memref<1x128xi32, #tpu.memory_space<vmem>>
        %dma_start3A_38 = tpu.memref_squeeze %dma_start3A_37 : memref<1x128xi32, #tpu.memory_space<vmem>> -> memref<128xi32, #tpu.memory_space<vmem>>
        %dma_start3A_39 = arith.constant 0 : i32
        %dma_start3A_40 = arith.constant 0 : i32
        %dma_start3A_41 = tpu.memref_slice %arg9[%dma_start3A_39, %dma_start3A_40] : memref<10000x16xf32, #tpu.memory_space<vmem_shared>> -> memref<10000x16xf32, #tpu.memory_space<vmem_shared>>
        tpu.enqueue_indirect_dma source(%arg7 : memref<128x16xf32, #tpu.memory_space<vmem>>) target(%dma_start3A_41 : memref<10000x16xf32, #tpu.memory_space<vmem_shared>>) offsets(%dma_start3A_38 : memref<128xi32, #tpu.memory_space<vmem>>) semaphore(%run_scoped3A : memref<!tpu.dma_semaphore, #tpu.memory_space<semaphore_mem>>) {add = true}
        %dma_wait3A = arith.constant 0 : i32
        %dma_wait3A_42 = tpu.memref_slice %arg5[%add3A_36, %dma_wait3A] : memref<78x128xi32, #tpu.memory_space<vmem>> -> memref<1x128xi32, #tpu.memory_space<vmem>>
        %dma_wait3A_43 = tpu.memref_squeeze %dma_wait3A_42 : memref<1x128xi32, #tpu.memory_space<vmem>> -> memref<128xi32, #tpu.memory_space<vmem>>
        %dma_wait3A_44 = arith.constant 0 : i32
        %dma_wait3A_45 = arith.constant 0 : i32
        %dma_wait3A_46 = tpu.memref_slice %arg9[%dma_wait3A_44, %dma_wait3A_45] : memref<10000x16xf32, #tpu.memory_space<vmem_shared>> -> memref<10000x16xf32, #tpu.memory_space<vmem_shared>>
        tpu.wait_indirect_dma semaphore(%run_scoped3A : memref<!tpu.dma_semaphore, #tpu.memory_space<semaphore_mem>>) src(%arg7 : memref<128x16xf32, #tpu.memory_space<vmem>>) dst(%dma_wait3A_46 : memref<10000x16xf32, #tpu.memory_space<vmem_shared>>)
        tpu.yield
      }) : () -> ()
    }
    %scan3A_23 = arith.constant 78 : i32
    %lt3A = arith.constant 4 : i32
    %lt3A_24 = arith.cmpi slt, %add3A, %lt3A : i32
    %convert_element_type3A = arith.extui %lt3A_24 : i1 to i32
    %cond3A = arith.constant 0 : i32
    %cond3A_25 = arith.cmpi ne, %convert_element_type3A, %cond3A : i32
    scf.if %cond3A_25 {
      %mul3A_32 = arith.constant 128 : i32
      %mul3A_33 = arith.muli %add3A, %mul3A_32 : i32
      %add3A_34 = arith.constant 319488 : i32
      %add3A_35 = arith.addi %add3A_34, %mul3A_33 : i32
      "tpu.region"() ({
        %run_scoped3A = tpu.sem_alloc : memref<!tpu.dma_semaphore, #tpu.memory_space<semaphore_mem>>
        %dma_start3A = tpu.memref_slice %arg3[%add3A_35] : memref<320000xi32, #tpu.memory_space<hbm>> -> memref<128xi32, #tpu.memory_space<hbm>>
        %dma_start3A_36 = tpu.memref_slice %arg3[%add3A_35] : memref<320000xi32, #tpu.memory_space<hbm>> -> memref<128xi32, #tpu.memory_space<hbm>>
        tpu.enqueue_dma source(%dma_start3A_36 : memref<128xi32, #tpu.memory_space<hbm>>) target(%arg6 : memref<128xi32, #tpu.memory_space<vmem>>) target_semaphore(%run_scoped3A : memref<!tpu.dma_semaphore, #tpu.memory_space<semaphore_mem>>)
        %dma_wait3A = tpu.memref_slice %arg3[%add3A_35] : memref<320000xi32, #tpu.memory_space<hbm>> -> memref<128xi32, #tpu.memory_space<hbm>>
        %dma_wait3A_37 = tpu.memref_slice %arg3[%add3A_35] : memref<320000xi32, #tpu.memory_space<hbm>> -> memref<128xi32, #tpu.memory_space<hbm>>
        tpu.wait_dma2 semaphore(%run_scoped3A : memref<!tpu.dma_semaphore, #tpu.memory_space<semaphore_mem>>) src(%dma_wait3A_37 : memref<128xi32, #tpu.memory_space<hbm>>) dst(%arg6 : memref<128xi32, #tpu.memory_space<vmem>>)
        tpu.yield
      }) : () -> ()
      "tpu.region"() ({
        %run_scoped3A = tpu.sem_alloc : memref<!tpu.dma_semaphore, #tpu.memory_space<semaphore_mem>>
        %dma_start3A = arith.constant 0 : i32
        %dma_start3A_36 = arith.constant 0 : i32
        %dma_start3A_37 = tpu.memref_slice %arg9[%dma_start3A, %dma_start3A_36] : memref<10000x16xf32, #tpu.memory_space<vmem_shared>> -> memref<10000x16xf32, #tpu.memory_space<vmem_shared>>
        tpu.enqueue_indirect_dma source(%arg7 : memref<128x16xf32, #tpu.memory_space<vmem>>) target(%dma_start3A_37 : memref<10000x16xf32, #tpu.memory_space<vmem_shared>>) offsets(%arg6 : memref<128xi32, #tpu.memory_space<vmem>>) semaphore(%run_scoped3A : memref<!tpu.dma_semaphore, #tpu.memory_space<semaphore_mem>>) {add = true}
        %dma_wait3A = arith.constant 0 : i32
        %dma_wait3A_38 = arith.constant 0 : i32
        %dma_wait3A_39 = tpu.memref_slice %arg9[%dma_wait3A, %dma_wait3A_38] : memref<10000x16xf32, #tpu.memory_space<vmem_shared>> -> memref<10000x16xf32, #tpu.memory_space<vmem_shared>>
        tpu.wait_indirect_dma semaphore(%run_scoped3A : memref<!tpu.dma_semaphore, #tpu.memory_space<semaphore_mem>>) src(%arg7 : memref<128x16xf32, #tpu.memory_space<vmem>>) dst(%dma_wait3A_39 : memref<10000x16xf32, #tpu.memory_space<vmem_shared>>)
        tpu.yield
      }) : () -> ()
    } else {
    }
    %barrier3A_26 = arith.constant 0 : index
    tpu.barrier barrier_id(%barrier3A_26)
    %lt3A_27 = arith.constant 10 : i32
    %lt3A_28 = arith.cmpi slt, %arg1, %lt3A_27 : i32
    %convert_element_type3A_29 = arith.extui %lt3A_28 : i1 to i32
    %cond3A_30 = arith.constant 0 : i32
    %cond3A_31 = arith.cmpi ne, %convert_element_type3A_29, %cond3A_30 : i32
    scf.if %cond3A_31 {
      %mul3A_32 = arith.constant 1000 : i32
      %mul3A_33 = arith.muli %arg1, %mul3A_32 : i32
      "tpu.region"() ({
        %run_scoped3A = tpu.sem_alloc : memref<!tpu.dma_semaphore, #tpu.memory_space<semaphore_mem>>
        %dma_start3A = arith.constant 0 : i32
        %dma_start3A_34 = tpu.memref_slice %arg4[%arg0, %mul3A_33, %dma_start3A] : memref<2x10000x16xf32, #tpu.memory_space<hbm>> -> memref<1x1000x16xf32, #tpu.memory_space<hbm>>
        %dma_start3A_35 = tpu.memref_squeeze %dma_start3A_34 : memref<1x1000x16xf32, #tpu.memory_space<hbm>> -> memref<1000x16xf32, #tpu.memory_space<hbm>>
        %dma_start3A_36 = arith.constant 0 : i32
        %dma_start3A_37 = tpu.memref_slice %arg9[%mul3A_33, %dma_start3A_36] : memref<10000x16xf32, #tpu.memory_space<vmem_shared>> -> memref<1000x16xf32, #tpu.memory_space<vmem_shared>>
        tpu.enqueue_dma source(%dma_start3A_37 : memref<1000x16xf32, #tpu.memory_space<vmem_shared>>) target(%dma_start3A_35 : memref<1000x16xf32, #tpu.memory_space<hbm>>) target_semaphore(%run_scoped3A : memref<!tpu.dma_semaphore, #tpu.memory_space<semaphore_mem>>)
        %dma_wait3A = arith.constant 0 : i32
        %dma_wait3A_38 = tpu.memref_slice %arg4[%arg0, %mul3A_33, %dma_wait3A] : memref<2x10000x16xf32, #tpu.memory_space<hbm>> -> memref<1x1000x16xf32, #tpu.memory_space<hbm>>
        %dma_wait3A_39 = tpu.memref_squeeze %dma_wait3A_38 : memref<1x1000x16xf32, #tpu.memory_space<hbm>> -> memref<1000x16xf32, #tpu.memory_space<hbm>>
        %dma_wait3A_40 = arith.constant 0 : i32
        %dma_wait3A_41 = tpu.memref_slice %arg9[%mul3A_33, %dma_wait3A_40] : memref<10000x16xf32, #tpu.memory_space<vmem_shared>> -> memref<1000x16xf32, #tpu.memory_space<vmem_shared>>
        tpu.wait_dma2 semaphore(%run_scoped3A : memref<!tpu.dma_semaphore, #tpu.memory_space<semaphore_mem>>) src(%dma_wait3A_41 : memref<1000x16xf32, #tpu.memory_space<vmem_shared>>) dst(%dma_wait3A_39 : memref<1000x16xf32, #tpu.memory_space<hbm>>)
        tpu.yield
      }) : () -> ()
    } else {
    }
    return
  }
}

module attributes {stable_mosaic.version = 14 : i64} {
  func.func @_h2_body(%arg0: i32, %arg1: memref<2000x128xf32, #tpu.memory_space<vmem>>, %arg2: memref<128x128xf32, #tpu.memory_space<vmem>>, %arg3: memref<2x2000x16xf32, #tpu.memory_space<vmem>>, %arg4: memref<2000x128xf32, #tpu.memory_space<vmem>>) attributes {dimension_semantics = [#tpu.dimension_semantics<arbitrary>], iteration_bounds = array<i64: 5>, scalar_prefetch = 0 : i64, scratch_operands = 0 : i64, tpu.core_type = #tpu.core_type<tc>, window_params = [{transform_indices = @transform_0, window_bounds = array<i64: 2000, 128>}, {pipeline_mode = #tpu.pipeline_mode<synchronous>, transform_indices = @transform_1, window_bounds = array<i64: 128, 128>}, {transform_indices = @transform_2, window_bounds = array<i64: 2, 2000, 16>}, {transform_indices = @transform_3, window_bounds = array<i64: 2000, 128>}]} {
    %get3A = arith.constant 0 : index
    %get3A_0 = arith.constant 0 : index
    %get3A_1 = vector.load %arg1[%get3A, %get3A_0] : memref<2000x128xf32, #tpu.memory_space<vmem>>, vector<2000x128xf32>
    %get3A_2 = arith.constant 0 : index
    %get3A_3 = arith.constant 0 : index
    %get3A_4 = vector.load %arg2[%get3A_2, %get3A_3] : memref<128x128xf32, #tpu.memory_space<vmem>>, vector<128x128xf32>
    %dot_general3A = arith.constant dense<0.000000e+00> : vector<2000x128xf32>
    %dot_general3A_5 = tpu.matmul %get3A_1, %get3A_4, %dot_general3A {dimension_numbers = #tpu.dot_dimension_numbers<[1], [0], [0], [1], [0, 0, 1, 1], [], []>, precision = #tpu.contract_precision<fp32>, transpose_lhs_hint = false} : vector<2000x128xf32>, vector<128x128xf32>, vector<2000x128xf32> -> vector<2000x128xf32>
    %get3A_6 = arith.constant 0 : index
    %get3A_7 = arith.constant 0 : index
    %get3A_8 = arith.constant 0 : index
    %get3A_9 = vector.load %arg3[%get3A_6, %get3A_7, %get3A_8] : memref<2x2000x16xf32, #tpu.memory_space<vmem>>, vector<1x2000x1xf32>
    %get3A_10 = vector.shape_cast %get3A_9 : vector<1x2000x1xf32> to vector<2000x1xf32>
    %get3A_11 = arith.constant 1 : index
    %get3A_12 = arith.constant 0 : index
    %get3A_13 = arith.constant 0 : index
    %get3A_14 = vector.load %arg3[%get3A_11, %get3A_12, %get3A_13] : memref<2x2000x16xf32, #tpu.memory_space<vmem>>, vector<1x2000x1xf32>
    %get3A_15 = vector.shape_cast %get3A_14 : vector<1x2000x1xf32> to vector<2000x1xf32>
    %add3A = arith.addf %get3A_10, %get3A_15 : vector<2000x1xf32>
    %add3A_16 = arith.constant 1.000000e+00 : f32
    %add3A_17 = vector.broadcast %add3A_16 : f32 to vector<2000x1xf32>
    %add3A_18 = arith.addf %add3A, %add3A_17 : vector<2000x1xf32>
    %rsqrt3A = math.rsqrt %add3A_18 : vector<2000x1xf32>
    %mul3A = vector.broadcast %rsqrt3A : vector<2000x1xf32> to vector<2000x128xf32>
    %mul3A_19 = arith.mulf %dot_general3A_5, %mul3A : vector<2000x128xf32>
    %swap3A = arith.constant 0 : index
    %swap3A_20 = arith.constant 0 : index
    %swap3A_21 = vector.load %arg4[%swap3A, %swap3A_20] : memref<2000x128xf32, #tpu.memory_space<vmem>>, vector<2000x128xf32>
    tpu.vector_store %arg4[%swap3A, %swap3A_20], %mul3A_19 {strides = array<i32>} : memref<2000x128xf32, #tpu.memory_space<vmem>>, vector<2000x128xf32>,
    return
  }
  func.func @transform_0(%arg0: i32) -> (i32, i32) {
    %c0_i32 = arith.constant 0 : i32
    %c0_i32_0 = arith.constant 0 : i32
    return %arg0, %c0_i32 : i32, i32
  }
  func.func @transform_1(%arg0: i32) -> (i32, i32) {
    %c0_i32 = arith.constant 0 : i32
    %c0_i32_0 = arith.constant 0 : i32
    %c0_i32_1 = arith.constant 0 : i32
    return %c0_i32, %c0_i32_0 : i32, i32
  }
  func.func @transform_2(%arg0: i32) -> (i32, i32, i32) {
    %c0_i32 = arith.constant 0 : i32
    %c0_i32_0 = arith.constant 0 : i32
    %c0_i32_1 = arith.constant 0 : i32
    return %c0_i32, %arg0, %c0_i32_0 : i32, i32, i32
  }
  func.func @transform_3(%arg0: i32) -> (i32, i32) {
    %c0_i32 = arith.constant 0 : i32
    %c0_i32_0 = arith.constant 0 : i32
    return %arg0, %c0_i32 : i32, i32
  }
}

module attributes {stable_mosaic.version = 14 : i64} {
  func.func @_out_body(%arg0: i32, %arg1: memref<2x2000x128xf32, #tpu.memory_space<vmem>>, %arg2: memref<2000x128xf32, #tpu.memory_space<vmem>>, %arg3: memref<2x2000x16xf32, #tpu.memory_space<vmem>>, %arg4: memref<1x128xf32, #tpu.memory_space<vmem>>, %arg5: memref<2000x128xf32, #tpu.memory_space<vmem>>) attributes {dimension_semantics = [#tpu.dimension_semantics<arbitrary>], iteration_bounds = array<i64: 5>, scalar_prefetch = 0 : i64, scratch_operands = 0 : i64, tpu.core_type = #tpu.core_type<tc>, window_params = [{transform_indices = @transform_0, window_bounds = array<i64: 2, 2000, 128>}, {transform_indices = @transform_1, window_bounds = array<i64: 2000, 128>}, {transform_indices = @transform_2, window_bounds = array<i64: 2, 2000, 16>}, {pipeline_mode = #tpu.pipeline_mode<synchronous>, transform_indices = @transform_3, window_bounds = array<i64: 1, 128>}, {transform_indices = @transform_4, window_bounds = array<i64: 2000, 128>}]} {
    %get3A = arith.constant 0 : index
    %get3A_0 = arith.constant 0 : index
    %get3A_1 = arith.constant 0 : index
    %get3A_2 = vector.load %arg3[%get3A, %get3A_0, %get3A_1] : memref<2x2000x16xf32, #tpu.memory_space<vmem>>, vector<1x2000x1xf32>
    %get3A_3 = vector.shape_cast %get3A_2 : vector<1x2000x1xf32> to vector<2000x1xf32>
    %get3A_4 = arith.constant 1 : index
    %get3A_5 = arith.constant 0 : index
    %get3A_6 = arith.constant 0 : index
    %get3A_7 = vector.load %arg3[%get3A_4, %get3A_5, %get3A_6] : memref<2x2000x16xf32, #tpu.memory_space<vmem>>, vector<1x2000x1xf32>
    %get3A_8 = vector.shape_cast %get3A_7 : vector<1x2000x1xf32> to vector<2000x1xf32>
    %add3A = arith.addf %get3A_3, %get3A_8 : vector<2000x1xf32>
    %add3A_9 = arith.constant 1.000000e+00 : f32
    %add3A_10 = vector.broadcast %add3A_9 : f32 to vector<2000x1xf32>
    %add3A_11 = arith.addf %add3A, %add3A_10 : vector<2000x1xf32>
    %get3A_12 = arith.constant 0 : index
    %get3A_13 = arith.constant 0 : index
    %get3A_14 = arith.constant 0 : index
    %get3A_15 = vector.load %arg1[%get3A_12, %get3A_13, %get3A_14] : memref<2x2000x128xf32, #tpu.memory_space<vmem>>, vector<1x2000x128xf32>
    %get3A_16 = vector.shape_cast %get3A_15 : vector<1x2000x128xf32> to vector<2000x128xf32>
    %get3A_17 = arith.constant 1 : index
    %get3A_18 = arith.constant 0 : index
    %get3A_19 = arith.constant 0 : index
    %get3A_20 = vector.load %arg1[%get3A_17, %get3A_18, %get3A_19] : memref<2x2000x128xf32, #tpu.memory_space<vmem>>, vector<1x2000x128xf32>
    %get3A_21 = vector.shape_cast %get3A_20 : vector<1x2000x128xf32> to vector<2000x128xf32>
    %add3A_22 = arith.addf %get3A_16, %get3A_21 : vector<2000x128xf32>
    %get3A_23 = arith.constant 0 : index
    %get3A_24 = arith.constant 0 : index
    %get3A_25 = vector.load %arg2[%get3A_23, %get3A_24] : memref<2000x128xf32, #tpu.memory_space<vmem>>, vector<2000x128xf32>
    %add3A_26 = arith.addf %add3A_22, %get3A_25 : vector<2000x128xf32>
    %rsqrt3A = math.rsqrt %add3A_11 : vector<2000x1xf32>
    %mul3A = vector.broadcast %rsqrt3A : vector<2000x1xf32> to vector<2000x128xf32>
    %mul3A_27 = arith.mulf %add3A_26, %mul3A : vector<2000x128xf32>
    %get3A_28 = arith.constant 0 : index
    %get3A_29 = arith.constant 0 : index
    %get3A_30 = vector.load %arg4[%get3A_28, %get3A_29] : memref<1x128xf32, #tpu.memory_space<vmem>>, vector<1x128xf32>
    %add3A_31 = vector.broadcast %get3A_30 : vector<1x128xf32> to vector<2000x128xf32>
    %add3A_32 = arith.addf %mul3A_27, %add3A_31 : vector<2000x128xf32>
    %swap3A = arith.constant 0 : index
    %swap3A_33 = arith.constant 0 : index
    %swap3A_34 = vector.load %arg5[%swap3A, %swap3A_33] : memref<2000x128xf32, #tpu.memory_space<vmem>>, vector<2000x128xf32>
    tpu.vector_store %arg5[%swap3A, %swap3A_33], %add3A_32 {strides = array<i32>} : memref<2000x128xf32, #tpu.memory_space<vmem>>, vector<2000x128xf32>,
    return
  }
  func.func @transform_0(%arg0: i32) -> (i32, i32, i32) {
    %c0_i32 = arith.constant 0 : i32
    %c0_i32_0 = arith.constant 0 : i32
    %c0_i32_1 = arith.constant 0 : i32
    return %c0_i32, %arg0, %c0_i32_0 : i32, i32, i32
  }
  func.func @transform_1(%arg0: i32) -> (i32, i32) {
    %c0_i32 = arith.constant 0 : i32
    %c0_i32_0 = arith.constant 0 : i32
    return %arg0, %c0_i32 : i32, i32
  }
  func.func @transform_2(%arg0: i32) -> (i32, i32, i32) {
    %c0_i32 = arith.constant 0 : i32
    %c0_i32_0 = arith.constant 0 : i32
    %c0_i32_1 = arith.constant 0 : i32
    return %c0_i32, %arg0, %c0_i32_0 : i32, i32, i32
  }
  func.func @transform_3(%arg0: i32) -> (i32, i32) {
    %c0_i32 = arith.constant 0 : i32
    %c0_i32_0 = arith.constant 0 : i32
    %c0_i32_1 = arith.constant 0 : i32
    return %c0_i32, %c0_i32_0 : i32, i32
  }
  func.func @transform_4(%arg0: i32) -> (i32, i32) {
    %c0_i32 = arith.constant 0 : i32
    %c0_i32_0 = arith.constant 0 : i32
    return %arg0, %c0_i32 : i32, i32
  }
}

</mosaic_0001>

<sc_bundles>
// kernel: kernel.6.cloned.1.call-start
scs
__scs_entry_jumppad:
0x0: {  	(pc) =	sbr.rel $0x88, $3  }
0x1: {  	(tag) =	ssettag $0x0;
	lr =	simm.s32 $0x1  }
0x2: {  	[smem:$0x3F9D] =	sst lr;
	_ =	strace $0xD0000000  }
0x3: {  	_ = 	snop  }
0x4: {  	_ = 	snop  }
0x5: {  	_ = 	snop  }
0x6: {  	_ = 	snop  }
0x7: {  	_ = 	snop  }
__scs_overlays_trampoline_lowered:
0x8: {  	[smem:$0x3FAC] =	sst s0  }
0x9: {  	[smem:$0x3FAD] =	sst s1  }
0xa: {  	[smem:$0x3FAE] =	sst s2  }
0xb: {  	[smem:$0x3FAF] =	sst s3  }
0xc: {  	[smem:$0x3FB0] =	sst s4  }
0xd: {  	[smem:$0x3FB1] =	sst s5  }
0xe: {  	[smem:$0x3FB2] =	sst s6  }
0xf: {  	[smem:$0x3FB3] =	sst s7  }
0x10: {  	[smem:$0x3FB4] =	sst s8  }
0x11: {  	[smem:$0x3FB5] =	sst s9;
	s0 =	simm.s32 @!p0 $0x0  }
0x12: {  	s1 =	sld [smem:$0x3F9B];
	s0 =	simm.s32 @p0 $0x1  }
0x13: {  	[smem:$0x3FB6] =	sst s0;
	s0 =	simm.s32 @!p1 $0x0  }
0x14: {  	s2 =	sld [smem:$0x3F9A];
	s0 =	simm.s32 @p1 $0x1  }
0x15: {  	[smem:$0x3FB7] =	sst s0;
	s0 =	simm.s32 @!p2 $0x0  }
0x16: {  	s3 =	sld [smem:$0x3FDB];
	s0 =	simm.s32 @p2 $0x1  }
0x17: {  	s4 =	simm.s32 $0x1BF5;
	[smem:$0x3FB9] =	sst s0  }
0x18: {  	s0 =	sld [smem:$0x3F9C];
	_ =	swait.ge [sflag:s4], $0x0  }
0x19: {  	s7 =	sld [smem:$0x3F9D]  }
0x1a: {  	s8 =	sadd.s32 $0xFFFFE003, lr  }
0x1b: {  	s9 =	sadd.s32 $0xFFFFFEF7, lr;
	s5 =	simm.s32 $0xFFFFFFFF;
	p2 =	slt.u32 s8, $0xFFFFF086  }
0x1c: {  	p1 =	slt.u32 s9, $0xF7A;
	s5 =	simm.s32 @!p2 $0x0  }
0x1d: {  	s5 =	simm.s32 @p1 $0x1;
	p0 =	seq.s32 s7, s2  }
0x1e: {  	s7 =	smul.u32 @!p0 $0xF7A, s2;
	p2 =	seq.s32 @!p0 s5, $0x0  }
0x1f: {  	s9 =	smul.u32 $0xF7A, s1;
	s8 =	simm.s32 @!p0 $0x1BF5;
	p2 =	por !p2, p0  }
0x20: {  	[sflag:s8] =	ssyncset.s32 @!p0 $0xFFFFF086;
	s6 =	sadd.s32 @!p0 s3, s7;
	s7 =	simm.s32 @!p0 $0x108  }
0x21: {  	s3 =	sadd.s32 s3, s9;
	s6 =	sadd.s32 @!p0 $0x88, s6;
	s7 =	simm.s32 @p2 $0x1082  }
0x22: {  	[simem:s7], [sflag:s8] =	dma.local @!p0 [hbm:s6], $0xF7A  }
0x23: {  	s9 =	sor.u32 $0xD0000000, s2;
	s6 =	simm.s32 $0x108;
	_ =	swait.ge @!p0 [sflag:s8], $0x0  }
0x24: {  	s3 =	sadd.s32 $0x88, s3;
	s6 =	simm.s32 @!p1 $0x1082;
	[sflag:s4] =	ssyncset.s32 $0xFFFFF086  }
0x25: {  	[simem:s6], [sflag:s4] =	dma.local [hbm:s3], $0xF7A  }
0x26: {  	[smem:$0x3F9D] =	sst s1;
	(tag) =	ssettag s2;
	_ =	strace s9  }
0x27: {  	s1 =	sld [smem:$0x3FAD]  }
0x28: {  	s2 =	sld [smem:$0x3FAE]  }
0x29: {  	s4 =	sld [smem:$0x3FB0]  }
0x2a: {  	p0 =	seq.s32 s5, $0x0;
	s5 =	sld [smem:$0x3FB1]  }
0x2b: {  	s6 =	sld [smem:$0x3FB2]  }
0x2c: {  	s7 =	sld [smem:$0x3FB3]  }
0x2d: {  	s3 =	simm.s32 $0x108;
	s8 =	sld [smem:$0x3FB4]  }
0x2e: {  	s3 =	simm.s32 @!p0 $0x1082;
	s9 =	sld [smem:$0x3FB5]  }
0x2f: {  	lr =	sadd.s32 s0, s3;
	s0 =	sld [smem:$0x3FAC]  }
0x30: {  	s3 =	sld [smem:$0x3FAF]  }
0x31: {  	[smem:$0x3FB8] =	sst s10  }
0x32: {  	s10 =	sld [smem:$0x3FB6];
	_ =	sdelay $0x3  }
0x33: {  	p0 =	seq.s32 s10, $0x1;
	s10 =	sld [smem:$0x3FB8];
	_ =	sdelay $0x3  }
0x34: {  	[smem:$0x3FB8] =	sst s10  }
0x35: {  	s10 =	sld [smem:$0x3FB7];
	_ =	sdelay $0x3  }
0x36: {  	p1 =	seq.s32 s10, $0x1;
	s10 =	sld [smem:$0x3FB8];
	_ =	sdelay $0x3  }
0x37: {  	[smem:$0x3FB8] =	sst s10  }
0x38: {  	s10 =	sld [smem:$0x3FB9]  }
0x39: {  	_ = 	snop;
	(pc) =	sbr.ind lr, $3  }
0x3a: {  	_ = 	snop  }
0x3b: {  	_ = 	snop  }
0x3c: {  	p2 =	seq.s32 s10, $0x1;
	s10 =	sld [smem:$0x3FB8]  }
0x3d: {  	_ =	shalt  }
0x3e: {  	_ =	shalt  }
0x3f: {  	_ =	shalt  }
0x40: {  	_ =	shalt  }
0x41: {  	_ =	shalt  }
0x42: {  	_ =	shalt  }
0x43: {  	_ =	shalt  }
0x44: {  	_ =	shalt  }
0x45: {  	_ =	shalt  }
0x46: {  	_ =	shalt  }
0x47: {  	_ =	shalt  }
0x48: {  	_ =	shalt  }
0x49: {  	_ =	shalt  }
0x4a: {  	_ =	shalt  }
0x4b: {  	_ =	shalt  }
0x4c: {  	_ =	shalt  }
0x4d: {  	_ =	shalt  }
0x4e: {  	_ =	shalt  }
0x4f: {  	_ =	shalt  }
0x50: {  	_ =	shalt  }
0x51: {  	_ =	shalt  }
0x52: {  	_ =	shalt  }
0x53: {  	_ =	shalt  }
0x54: {  	_ =	shalt  }
0x55: {  	_ =	shalt  }
0x56: {  	_ =	shalt  }
0x57: {  	_ =	shalt  }
0x58: {  	_ =	shalt  }
0x59: {  	_ =	shalt  }
0x5a: {  	_ =	shalt  }
0x5b: {  	_ =	shalt  }
0x5c: {  	_ =	shalt  }
0x5d: {  	_ =	shalt  }
0x5e: {  	_ =	shalt  }
0x5f: {  	_ =	shalt  }
0x60: {  	_ =	shalt  }
0x61: {  	_ =	shalt  }
0x62: {  	_ =	shalt  }
0x63: {  	_ =	shalt  }
0x64: {  	_ =	shalt  }
0x65: {  	_ =	shalt  }
0x66: {  	_ =	shalt  }
0x67: {  	_ =	shalt  }
0x68: {  	_ =	shalt  }
0x69: {  	_ =	shalt  }
0x6a: {  	_ =	shalt  }
0x6b: {  	_ =	shalt  }
0x6c: {  	_ =	shalt  }
0x6d: {  	_ =	shalt  }
0x6e: {  	_ =	shalt  }
0x6f: {  	_ =	shalt  }
0x70: {  	_ =	shalt  }
0x71: {  	_ =	shalt  }
0x72: {  	_ =	shalt  }
0x73: {  	_ =	shalt  }
0x74: {  	_ =	shalt  }
0x75: {  	_ =	shalt  }
0x76: {  	_ =	shalt  }
0x77: {  	_ =	shalt  }
0x78: {  	_ =	shalt  }
0x79: {  	_ =	shalt  }
0x7a: {  	_ =	shalt  }
0x7b: {  	_ =	shalt  }
0x7c: {  	_ =	shalt  }
0x7d: {  	_ =	shalt  }
0x7e: {  	_ =	shalt  }
0x7f: {  	_ =	shalt  }
0x80: {  	_ =	shalt  }
0x81: {  	_ =	shalt  }
0x82: {  	_ =	shalt  }
0x83: {  	_ =	shalt  }
0x84: {  	_ =	shalt  }
0x85: {  	_ =	shalt  }
0x86: {  	_ =	shalt  }
0x87: {  	_ =	shalt  }
.Lfunc_end0:
.L_simem_size_0:
called_computation_lowered:
.L_overlay_start_0:
0x88: {  	s2 =	sld [smem:$0x3FD9]  }
0x89: {  	s3 =	sld [smem:$0x3FFE];
	_ =	sdelay $0x1  }
0x8a: {  	s1 =	srdreg.scid  }
0x8b: {  	s0 =	sand.u32 $0x1, s1  }
0x8c: {  	s17 =	sshll.u32 s0, $0xA;
	s2 =	sadd.s32 s3, s2  }
0x8d: {  	s2 =	sadd.s32 s2, s17  }
0x8e: {  	[smem:$0x3FC4] =	sst s2  }
0x8f: {  	_ = 	snop  }
0x90: {  	s2 =	sld [smem:$0x3FD0];
	(tm) =	ssettm $0x1  }
0x91: {  	s18 =	sld [smem:$0x3FFB];
	_ =	sdelay $0x3  }
0x92: {  	_ =	strace s18  }
0x93: {  	s3 =	sld [smem:$0x3FFC];
	_ =	sdelay $0x3  }
0x94: {  	_ =	strace s3  }
0x95: {  	s3 =	sld [smem:$0x3FFD];
	_ =	sdelay $0x3  }
0x96: {  	_ =	strace s3  }
0x97: {  	_ =	strace $0x8FFFFFFF  }
0x98: {  	s19 =	sld [smem:$0x3FDB];
	_ =	sdelay $0x1  }
0x99: {  	s4 =	simm.s32 $_scs_section_size  }
0x9a: {  	s5 =	simm.s32 $_size__tile_overlayer_lowered;
	s6 =	simm.s32 $_tile_overlayer_lowered  }
0x9b: {  	s22 =	simm.s32 $0x1BFF;
	s21 =	sshll.u32 s6, $0x1;
	s3 =	sadd.s32 s4, s19  }
0x9c: {  	s7 =	simm.s32 $0x0;
	s20 =	sshll.u32 s5, $0x1;
	s5 =	sadd.s32 s21, s3  }
0x9d: {  	[timem:s7], [sflag:s22] =	dma.local [hbm:s5], s20  }
0x9e: {  	_ =	swait.ge [sflag:s22], s20  }
0x9f: {  	s4 =	ssub.s32 $0x0, s20;
	[sflag:s22] =	ssyncset.done $0x0  }
0xa0: {  	[sflag:s22] =	ssyncadd.s32 s4;
	_ =	sdelay $0x1  }
0xa1: {  	s23 =	simm.s32 $0x1B8B  }
0xa2: {  	_ =	swait.ge [sflag:s23], $0x1  }
0xa3: {  	[sflag:s23] =	ssyncset.done $0x0  }
0xa4: {  	s25 =	simm.s32 $0x1B8E;
	s24 =	sld [smem:$0x3FFE];
	[sflag:s23] =	ssyncadd.s32 $0xFFFFFFFF  }
0xa5: {  	s26 =	simm.s32 $execute0_lowered;
	[smem:$0x3FD2] =	sst s25  }
0xa6: {  	s5 =	sshll.u32 s26, $0x1;
	_ =	strace $0x80000046;
	[dreg:$0x1] =	wrdreg $0xFFFFFFFF  }
0xa7: {  	s28 =	simm.s32 $_size_execute0_lowered;
	s3 =	sadd.s32 s3, s5;
	[dreg:$0x0] =	wrdreg $0x0  }
0xa8: {  	s5 =	sshll.u32 s28, $0x1;
	[dreg:$0x2] =	wrdreg s3  }
0xa9: {  	[dreg:$0x3] =	wrdreg s5  }
0xaa: {  	[dreg:$0x4] =	wrdreg $0xC0  }
0xab: {  	_ =	task [dreg:s7], $0x5FFFF  }
0xac: {  	[dreg:$0x1] =	wrdreg $0xFFFFFFFF  }
0xad: {  	[dreg:$0x0] =	wrdreg $0x60  }
0xae: {  	[dreg:$0x2] =	wrdreg s2  }
0xaf: {  	[dreg:$0x3] =	wrdreg s24  }
0xb0: {  	[dreg:$0x4] =	wrdreg $0xA8800  }
0xb1: {  	[dreg:$0x5] =	wrdreg $0x9  }
0xb2: {  	_ =	task.clear_ibuf [dreg:s7], $0x6FFFF;
	_ =	strace $0x90000046  }
0xb3: {  	s29 =	simm.s32 $0x9;
	_ =	strace $0x80000048  }
0xb4: {  	_ =	swait.ge [sflag:s29], $0x1  }
0xb5: {  	[sflag:s29] =	ssyncadd.s32 $0xFFFFFFFF  }
0xb6: {  	_ =	strace $0x90000048  }
0xb7: {  	_ =	sfence  }
0xb8: {  	s30 =	sld [smem:$0x0];
	_ =	sdelay $0x2  }
0xb9: {  	s31 =	sshll.u32 s1, $0xD;
	s1 =	sshrl.u32 s1, $0x2  }
0xba: {  	s3 =	sand.u32 $0x4000, s31;
	s1 =	sadd.s32 s1, s30  }
0xbb: {  	s0 =	sor.u32 s3, s0;
	s1 =	sshll.u32 s1, $0x11  }
0xbc: {  	s0 =	sor.u32 s1, s0  }
0xbd: {  	s0 =	sadd.s32 $0x8F2B, s0  }
0xbe: {  	[sflag:s0] =	ssyncadd.remote.s32 $0x1  }
0xbf: {  	_ =	sfence.sel $0xFFFF  }
0xc0: {  	[dreg:$0x0] =	wrdreg $0xFFFFFFFF;
	(pc) =	sbr.abs _section_cstart, $3  }
0xc1: {  	[dreg:$0x1] =	wrdreg $0xFFFFFFFF  }
0xc2: {  	_ =	task.clear_ibuf [dreg:s7], $0x2FFFF;
	_ =	strace $0x9FFFFFFF  }
0xc3: {  	(tm) =	ssettm $0x7FFFFFFF  }
tec
execute0_lowered:
.L_overlay_start_1:
0x0: {  	(tag) =	ssettag $0x1  }
0x1: {  	s4 =	rddreg [dreg:$0x0]  }
0x2: {  	s5 =	rddreg [dreg:$0x1]  }
0x3: {  	s1 =	rddreg [dreg:$0x2];
	s2 =	srdreg.scid  }
0x4: {  	s0 =	rddreg [dreg:$0x3];
	s3 =	simm.s32 $0x0;
	s13 =	simm.s32 $0x6880  }
0x5: {  	s14 =	simm.s32 $0x1;
	s15 =	simm.s32 $0x80;
	s6 =	sand.u32 $0x1, s2  }
0x6: {  	s16 =	simm.s32 $0x2880;
	s2 =	stileid.u32;
	s7 =	smul.u32 $0x138800, s6  }
0x7: {  	s20 =	simm.s32 $0x0;
	[smem:$0x7FF] =	sst s3;
	s8 =	smul.u32 $0x1F400, s2  }
0x8: {  	s9 =	sshll.u32 s6, $0x4;
	_ =	strace $0x80000047;
	s28 =	smul.u32 $0x7D000, s2  }
0x9: {  	s10 =	sshll.u32 s2, $0x4;
	s6 =	ssub.s32 $0x2, s6;
	s11 =	smul.u32 $0x4E200, s2  }
0xa: {  	s18 =	sshll.u32 s2, $0x6;
	p1 =	sgt.u32 s2, $0x9;
	s17 =	sor.u32 s2, s9  }
0xb: {  	s25 =	sadd.s32 s10, s5;
	s29 =	sshrl.u32 s6, $0x1;
	s18 =	sor.u32 $0x1C01, s18  }
0xc: {  	s7 =	sadd.s32 s8, s7;
	s26 =	smul.u32 $0x500, s17;
	s12 =	ssub.s32 s6, s29  }
0xd: {  	s30 =	sshrl.u32 s28, $0x2;
	s31 =	sshrl.u32 s11, $0x2;
	p0 =	sgt.u32 s17, $0x3  }
.Ltmp0:
0xe: {  	s17 =	simm.s32 $0x2800;
	s7 =	sshrl.u32 s7, $0x3;
	(pc) =	sbr.rel .LBB2_1-.Ltmp0, $4  }
0xf: {  	s19 =	sadd.s32 s30, s1;
	s8 =	sadd.s32 s31, s1;
	s7 =	sadd.s32 s7, s5  }
0x10: {  	s4 =	sadd.s32 s4, s26;
	s5 =	sadd.s32 $0x14C00, s25;
	s9 =	sadd.s32 $0x3E80, s8  }
0x11: {  	s10 =	sadd.s32 $0x7D00, s8;
	s11 =	sadd.s32 $0xBB80, s8;
	s19 =	sshrl.u32 s19, $0x3  }
0x12: {  	v0 =	vimm.f32 $1.000000000e+00;
	v1 =	vimm.f32 $0.0e+00;
	s6 =	sadd.s32 $0x14E00, s7;
	s7 =	smax.u32 s12, $0x1;
	s12 =	sadd.s32 $0xFA00, s8  }
.LBB2_8:
0x13: {  	[tilespmem:s17], [sflag:$0x1] =	stream.linear.gather [hbm4b:s5+s3], $0x80, $0x38;
	[tilespmem:$0xCF90] =	vst v63  }
0x14: {  	_ =	swait.ge [sflag:s14], $0x80  }
0x15: {  	[sflag:s14] =	ssyncset.done $0x0  }
0x16: {  	[sflag:s14] =	ssyncadd.s32 $0xFFFFFF80  }
0x17: {  	[spmem:s1] =	stream.indirect.scatter.add.f32 [tilespmem:s16], [sflag:$0x1], $0x10, s17, s15, $0xb8;
	[tilespmem:$0xCF90] =	vst v63  }
0x18: {  	_ =	swait.ge [sflag:s14], $0x800  }
0x19: {  	[sflag:s14] =	ssyncset.done $0x0  }
0x1a: {  	[sflag:s14] =	ssyncadd.s32 $0xFFFFF800  }
0x1b: {  	[bflag:$0x0] =	sbarrier.arrive $0xFFFF  }
.LBB2_10:
0x1c: {  	[hbm:s6], [sflag:s18] =	dma.local [spmem:s19], $0x3E80  }
0x1d: {  	_ =	swait.ge [sflag:s14], $0x3E80  }
0x1e: {  	[sflag:s14] =	ssyncset.done $0x0  }
0x1f: {  	[sflag:s14] =	ssyncadd.s32 $0xFFFFC180  }
.LBB2_11:
0x20: {  	s20 =	sadd.s32 $0x1, s20  }
0x21: {  	p2 =	sne.s32 s20, s7  }
.Ltmp1:
0x22: {  	_ = 	snop;
	(pc) =	sbr.rel @!p2 .LBB2_12-.Ltmp1, $1  }
0x23: {  	_ =	sdelay $0x3  }
.LBB2_1:
0x24: {  	s21 =	simm.s32 $0x0  }
.LBB2_2:
0x25: {  	p2 =	sne.s32 s21, $0xFE00  }
.Ltmp2:
0x26: {  	_ = 	snop;
	(pc) =	sbr.rel @p2 .LBB2_2-.Ltmp2, $3  }
0x27: {  	_ =	sdelay $0x1  }
0x28: {  	s22 =	sshra.s32 s21, $0x2  }
0x29: {  	s21 =	sadd.s32 $0x200, s21;
	[tilespmem:s22+$0x2880] =	vst v0  }
0x2a: {  	s21 =	simm.s32 $0x200;
	s22 =	simm.s32 $0x0  }
.LBB2_4:
0x2b: {  	p2 =	sne.s32 s21, $0xF800;
	[tilespmem:s22+$0x6880] =	vst v1;
	s22 =	smov.u32 s21;
	s21 =	sadd.s32 $0x200, s21  }
.Ltmp3:
0x2c: {  	(pc) =	sbr.rel @p2 .LBB2_4-.Ltmp3, $2  }
0x2d: {  	_ =	sdelay $0x2  }
0x2e: {  	s22 =	sshra.s32 s22, $0x2  }
0x2f: {  	[tilespmem:s22+$0x6880] =	vst v1  }
0x30: {  	[spmem:s8] =	stream.linear.scatter [tilespmem:s13], [sflag:$0x1], $0x3E80, $0x38;
	[tilespmem:$0xCF90] =	vst v63  }
0x31: {  	_ =	swait.ge [sflag:s14], $0x3E80  }
0x32: {  	[sflag:s14] =	ssyncset.done $0x0  }
0x33: {  	[sflag:s14] =	ssyncadd.s32 $0xFFFFC180  }
0x34: {  	[spmem:s9] =	stream.linear.scatter [tilespmem:s13], [sflag:$0x1], $0x3E80, $0x38;
	[tilespmem:$0xCF90] =	vst v63  }
0x35: {  	_ =	swait.ge [sflag:s14], $0x3E80  }
0x36: {  	[sflag:s14] =	ssyncset.done $0x0  }
0x37: {  	[sflag:s14] =	ssyncadd.s32 $0xFFFFC180  }
0x38: {  	[spmem:s10] =	stream.linear.scatter [tilespmem:s13], [sflag:$0x1], $0x3E80, $0x38;
	[tilespmem:$0xCF90] =	vst v63  }
0x39: {  	_ =	swait.ge [sflag:s14], $0x3E80  }
0x3a: {  	[sflag:s14] =	ssyncset.done $0x0  }
0x3b: {  	[sflag:s14] =	ssyncadd.s32 $0xFFFFC180  }
0x3c: {  	[spmem:s11] =	stream.linear.scatter [tilespmem:s13], [sflag:$0x1], $0x3E80, $0x38;
	[tilespmem:$0xCF90] =	vst v63  }
0x3d: {  	_ =	swait.ge [sflag:s14], $0x3E80  }
0x3e: {  	[sflag:s14] =	ssyncset.done $0x0  }
0x3f: {  	[sflag:s14] =	ssyncadd.s32 $0xFFFFC180  }
0x40: {  	[spmem:s12] =	stream.linear.scatter [tilespmem:s13], [sflag:$0x1], $0x3E80, $0x38;
	[tilespmem:$0xCF90] =	vst v63  }
0x41: {  	_ =	swait.ge [sflag:s14], $0x3E80  }
0x42: {  	[sflag:s14] =	ssyncset.done $0x0  }
0x43: {  	s21 =	simm.s32 $0x0;
	[sflag:s14] =	ssyncadd.s32 $0xFFFFC180  }
0x44: {  	[tilespmem:s21], [sflag:$0x1] =	stream.linear.gather [hbm4b:s4+s21], $0x2700, $0x38;
	[tilespmem:$0xCF90] =	vst v63  }
0x45: {  	_ =	swait.ge [sflag:s14], $0x2700  }
0x46: {  	[sflag:s14] =	ssyncset.done $0x0  }
0x47: {  	[sflag:s14] =	ssyncadd.s32 $0xFFFFD900  }
0x48: {  	s31 =	simm.s32 $0x0;
	[bflag:$0x0] =	sbarrier.arrive $0xFFFF  }
0x49: {  	[spmem:s1] =	stream.indirect.scatter.add.f32 [tilespmem:s16], [sflag:$0x1], $0x10, s31, s15, $0xb8;
	[tilespmem:$0xCF90] =	vst v63  }
0x4a: {  	_ =	swait.ge [sflag:s14], $0x800  }
0x4b: {  	s21 =	simm.s32 $0x200;
	[sflag:s14] =	ssyncset.done $0x0  }
.LBB2_6:
0x4c: {  	s22 =	sshra.s32 s21, $0x2;
	[sflag:s14] =	ssyncadd.s32 $0xFFFFF800;
	p2 =	sne.s32 s21, $0x9A00  }
0x4d: {  	[spmem:s1] =	stream.indirect.scatter.add.f32 [tilespmem:s16], [sflag:$0x1], $0x10, s22, s15, $0xb8;
	[tilespmem:$0xCF90] =	vst v63  }
.Ltmp4:
0x4e: {  	_ = 	snop;
	(pc) =	sbr.rel @p2 .LBB2_6-.Ltmp4, $4  }
0x4f: {  	_ = 	snop  }
0x50: {  	s21 =	sadd.s32 $0x200, s21  }
0x51: {  	_ =	swait.ge [sflag:s14], $0x800  }
0x52: {  	[sflag:s14] =	ssyncset.done $0x0  }
.Ltmp5:
0x53: {  	(pc) =	sbr.rel @!p0 .LBB2_8-.Ltmp5, $2  }
0x54: {  	_ =	sdelay $0x2  }
0x55: {  	[sflag:s14] =	ssyncadd.s32 $0xFFFFF800  }
.Ltmp6:
0x56: {  	(pc) =	sbr.rel @p1 .LBB2_11-.Ltmp6, $4  }
.Ltmp7:
0x57: {  	(pc) =	sbr.rel @!p1 .LBB2_10-.Ltmp7, $4  }
0x58: {  	_ = 	snop  }
0x59: {  	[bflag:$0x0] =	sbarrier.arrive $0xFFFF  }
0x5a: {  	_ = 	snop  }
0x5b: {  	_ = 	snop  }
.LBB2_12:
0x5c: {  	_ =	sfence.sel $0x180000  }
0x5d: {  	[bflag:$0x0] =	sbarrier.arrive $0xFFFF  }
0x5e: {  	p0 =	sne.s32 s2, $0x0;
	_ =	strace $0x90000047  }
0x5f: {  	s0 =	sadd.s32 @!p0 $0x100000, s0;
	[bflag:$0x2] =	sbarrier.arrive $0xFFFF  }
0x60: {  	[sflag:s0] =	ssyncadd.tile.s32 @!p0 $0x1;
	_ =	shalt  }
.Lfunc_end2:
_tile_overlayer_lowered:
.L_overlay_start_2:
0x61: {  	(tag) =	ssettag $0x2  }
0x62: {  	s0 =	rddreg [dreg:$0x0];
	s2 =	stileid.u32  }
0x63: {  	s1 =	rddreg [dreg:$0x1];
	p0 =	sne.s32 s2, $0x0  }
0x64: {  	s3 =	rddreg [dreg:$0x2];
	[bflag:$0x3] =	sbarrier.arrive $0xFFFF;
	s2 =	simm.s32 @!p0 $0x1C01  }
0x65: {  	[timem:s3], [sflag:s2] =	dma.local @!p0 [hbm:s0], s1  }
0x66: {  	s0 =	simm.s32 @!p0 $0x1  }
0x67: {  	_ =	swait.ge @!p0 [sflag:s0], s1  }
0x68: {  	s1 =	ssub.s32 @!p0 $0x0, s1;
	[sflag:s0] =	ssyncset.done @!p0 $0x0  }
0x69: {  	[sflag:s0] =	ssyncadd.s32 @!p0 s1  }
0x6a: {  	[bflag:$0x3] =	sbarrier.arrive $0xFFFF  }
0x6b: {  	_ =	shalt  }

// kernel: kernel.9.cloned.1.call-start
scs
__scs_entry_jumppad:
0x0: {  	(pc) =	sbr.rel $0x88, $3  }
0x1: {  	(tag) =	ssettag $0x0;
	lr =	simm.s32 $0x1  }
0x2: {  	[smem:$0x3F9D] =	sst lr;
	_ =	strace $0xD0000000  }
0x3: {  	_ = 	snop  }
0x4: {  	_ = 	snop  }
0x5: {  	_ = 	snop  }
0x6: {  	_ = 	snop  }
0x7: {  	_ = 	snop  }
__scs_overlays_trampoline_lowered:
0x8: {  	[smem:$0x3FAC] =	sst s0  }
0x9: {  	[smem:$0x3FAD] =	sst s1  }
0xa: {  	[smem:$0x3FAE] =	sst s2  }
0xb: {  	[smem:$0x3FAF] =	sst s3  }
0xc: {  	[smem:$0x3FB0] =	sst s4  }
0xd: {  	[smem:$0x3FB1] =	sst s5  }
0xe: {  	[smem:$0x3FB2] =	sst s6  }
0xf: {  	[smem:$0x3FB3] =	sst s7  }
0x10: {  	[smem:$0x3FB4] =	sst s8  }
0x11: {  	[smem:$0x3FB5] =	sst s9;
	s0 =	simm.s32 @!p0 $0x0  }
0x12: {  	s1 =	sld [smem:$0x3F9B];
	s0 =	simm.s32 @p0 $0x1  }
0x13: {  	[smem:$0x3FB6] =	sst s0;
	s0 =	simm.s32 @!p1 $0x0  }
0x14: {  	s2 =	sld [smem:$0x3F9A];
	s0 =	simm.s32 @p1 $0x1  }
0x15: {  	[smem:$0x3FB7] =	sst s0;
	s0 =	simm.s32 @!p2 $0x0  }
0x16: {  	s3 =	sld [smem:$0x3FDB];
	s0 =	simm.s32 @p2 $0x1  }
0x17: {  	s4 =	simm.s32 $0x1BF5;
	[smem:$0x3FB9] =	sst s0  }
0x18: {  	s0 =	sld [smem:$0x3F9C];
	_ =	swait.ge [sflag:s4], $0x0  }
0x19: {  	s7 =	sld [smem:$0x3F9D]  }
0x1a: {  	s8 =	sadd.s32 $0xFFFFE003, lr  }
0x1b: {  	s9 =	sadd.s32 $0xFFFFFEF7, lr;
	s5 =	simm.s32 $0xFFFFFFFF;
	p2 =	slt.u32 s8, $0xFFFFF086  }
0x1c: {  	p1 =	slt.u32 s9, $0xF7A;
	s5 =	simm.s32 @!p2 $0x0  }
0x1d: {  	s5 =	simm.s32 @p1 $0x1;
	p0 =	seq.s32 s7, s2  }
0x1e: {  	s7 =	smul.u32 @!p0 $0xF7A, s2;
	p2 =	seq.s32 @!p0 s5, $0x0  }
0x1f: {  	s9 =	smul.u32 $0xF7A, s1;
	s8 =	simm.s32 @!p0 $0x1BF5;
	p2 =	por !p2, p0  }
0x20: {  	[sflag:s8] =	ssyncset.s32 @!p0 $0xFFFFF086;
	s6 =	sadd.s32 @!p0 s3, s7;
	s7 =	simm.s32 @!p0 $0x108  }
0x21: {  	s3 =	sadd.s32 s3, s9;
	s6 =	sadd.s32 @!p0 $0x88, s6;
	s7 =	simm.s32 @p2 $0x1082  }
0x22: {  	[simem:s7], [sflag:s8] =	dma.local @!p0 [hbm:s6], $0xF7A  }
0x23: {  	s9 =	sor.u32 $0xD0000000, s2;
	s6 =	simm.s32 $0x108;
	_ =	swait.ge @!p0 [sflag:s8], $0x0  }
0x24: {  	s3 =	sadd.s32 $0x88, s3;
	s6 =	simm.s32 @!p1 $0x1082;
	[sflag:s4] =	ssyncset.s32 $0xFFFFF086  }
0x25: {  	[simem:s6], [sflag:s4] =	dma.local [hbm:s3], $0xF7A  }
0x26: {  	[smem:$0x3F9D] =	sst s1;
	(tag) =	ssettag s2;
	_ =	strace s9  }
0x27: {  	s1 =	sld [smem:$0x3FAD]  }
0x28: {  	s2 =	sld [smem:$0x3FAE]  }
0x29: {  	s4 =	sld [smem:$0x3FB0]  }
0x2a: {  	p0 =	seq.s32 s5, $0x0;
	s5 =	sld [smem:$0x3FB1]  }
0x2b: {  	s6 =	sld [smem:$0x3FB2]  }
0x2c: {  	s7 =	sld [smem:$0x3FB3]  }
0x2d: {  	s3 =	simm.s32 $0x108;
	s8 =	sld [smem:$0x3FB4]  }
0x2e: {  	s3 =	simm.s32 @!p0 $0x1082;
	s9 =	sld [smem:$0x3FB5]  }
0x2f: {  	lr =	sadd.s32 s0, s3;
	s0 =	sld [smem:$0x3FAC]  }
0x30: {  	s3 =	sld [smem:$0x3FAF]  }
0x31: {  	[smem:$0x3FB8] =	sst s10  }
0x32: {  	s10 =	sld [smem:$0x3FB6];
	_ =	sdelay $0x3  }
0x33: {  	p0 =	seq.s32 s10, $0x1;
	s10 =	sld [smem:$0x3FB8];
	_ =	sdelay $0x3  }
0x34: {  	[smem:$0x3FB8] =	sst s10  }
0x35: {  	s10 =	sld [smem:$0x3FB7];
	_ =	sdelay $0x3  }
0x36: {  	p1 =	seq.s32 s10, $0x1;
	s10 =	sld [smem:$0x3FB8];
	_ =	sdelay $0x3  }
0x37: {  	[smem:$0x3FB8] =	sst s10  }
0x38: {  	s10 =	sld [smem:$0x3FB9]  }
0x39: {  	_ = 	snop;
	(pc) =	sbr.ind lr, $3  }
0x3a: {  	_ = 	snop  }
0x3b: {  	_ = 	snop  }
0x3c: {  	p2 =	seq.s32 s10, $0x1;
	s10 =	sld [smem:$0x3FB8]  }
0x3d: {  	_ =	shalt  }
0x3e: {  	_ =	shalt  }
0x3f: {  	_ =	shalt  }
0x40: {  	_ =	shalt  }
0x41: {  	_ =	shalt  }
0x42: {  	_ =	shalt  }
0x43: {  	_ =	shalt  }
0x44: {  	_ =	shalt  }
0x45: {  	_ =	shalt  }
0x46: {  	_ =	shalt  }
0x47: {  	_ =	shalt  }
0x48: {  	_ =	shalt  }
0x49: {  	_ =	shalt  }
0x4a: {  	_ =	shalt  }
0x4b: {  	_ =	shalt  }
0x4c: {  	_ =	shalt  }
0x4d: {  	_ =	shalt  }
0x4e: {  	_ =	shalt  }
0x4f: {  	_ =	shalt  }
0x50: {  	_ =	shalt  }
0x51: {  	_ =	shalt  }
0x52: {  	_ =	shalt  }
0x53: {  	_ =	shalt  }
0x54: {  	_ =	shalt  }
0x55: {  	_ =	shalt  }
0x56: {  	_ =	shalt  }
0x57: {  	_ =	shalt  }
0x58: {  	_ =	shalt  }
0x59: {  	_ =	shalt  }
0x5a: {  	_ =	shalt  }
0x5b: {  	_ =	shalt  }
0x5c: {  	_ =	shalt  }
0x5d: {  	_ =	shalt  }
0x5e: {  	_ =	shalt  }
0x5f: {  	_ =	shalt  }
0x60: {  	_ =	shalt  }
0x61: {  	_ =	shalt  }
0x62: {  	_ =	shalt  }
0x63: {  	_ =	shalt  }
0x64: {  	_ =	shalt  }
0x65: {  	_ =	shalt  }
0x66: {  	_ =	shalt  }
0x67: {  	_ =	shalt  }
0x68: {  	_ =	shalt  }
0x69: {  	_ =	shalt  }
0x6a: {  	_ =	shalt  }
0x6b: {  	_ =	shalt  }
0x6c: {  	_ =	shalt  }
0x6d: {  	_ =	shalt  }
0x6e: {  	_ =	shalt  }
0x6f: {  	_ =	shalt  }
0x70: {  	_ =	shalt  }
0x71: {  	_ =	shalt  }
0x72: {  	_ =	shalt  }
0x73: {  	_ =	shalt  }
0x74: {  	_ =	shalt  }
0x75: {  	_ =	shalt  }
0x76: {  	_ =	shalt  }
0x77: {  	_ =	shalt  }
0x78: {  	_ =	shalt  }
0x79: {  	_ =	shalt  }
0x7a: {  	_ =	shalt  }
0x7b: {  	_ =	shalt  }
0x7c: {  	_ =	shalt  }
0x7d: {  	_ =	shalt  }
0x7e: {  	_ =	shalt  }
0x7f: {  	_ =	shalt  }
0x80: {  	_ =	shalt  }
0x81: {  	_ =	shalt  }
0x82: {  	_ =	shalt  }
0x83: {  	_ =	shalt  }
0x84: {  	_ =	shalt  }
0x85: {  	_ =	shalt  }
0x86: {  	_ =	shalt  }
0x87: {  	_ =	shalt  }
.Lfunc_end0:
.L_simem_size_0:
called_computation.1_lowered:
.L_overlay_start_0:
0x88: {  	s2 =	sld [smem:$0x3FD9]  }
0x89: {  	s3 =	sld [smem:$0x3FFE];
	_ =	sdelay $0x1  }
0x8a: {  	s1 =	srdreg.scid  }
0x8b: {  	s0 =	sand.u32 $0x1, s1  }
0x8c: {  	s17 =	sshll.u32 s0, $0xA;
	s2 =	sadd.s32 s3, s2  }
0x8d: {  	s2 =	sadd.s32 s2, s17  }
0x8e: {  	[smem:$0x3FC4] =	sst s2  }
0x8f: {  	_ = 	snop  }
0x90: {  	s2 =	sld [smem:$0x3FD0];
	(tm) =	ssettm $0x1  }
0x91: {  	s18 =	sld [smem:$0x3FFB];
	_ =	sdelay $0x3  }
0x92: {  	_ =	strace s18  }
0x93: {  	s3 =	sld [smem:$0x3FFC];
	_ =	sdelay $0x3  }
0x94: {  	_ =	strace s3  }
0x95: {  	s3 =	sld [smem:$0x3FFD];
	_ =	sdelay $0x3  }
0x96: {  	_ =	strace s3  }
0x97: {  	_ =	strace $0x8FFFFFFF  }
0x98: {  	s19 =	sld [smem:$0x3FDB];
	_ =	sdelay $0x1  }
0x99: {  	s4 =	simm.s32 $_scs_section_size  }
0x9a: {  	s5 =	simm.s32 $_size__tile_overlayer_lowered;
	s6 =	simm.s32 $_tile_overlayer_lowered  }
0x9b: {  	s22 =	simm.s32 $0x1BFF;
	s21 =	sshll.u32 s6, $0x1;
	s3 =	sadd.s32 s4, s19  }
0x9c: {  	s7 =	simm.s32 $0x0;
	s20 =	sshll.u32 s5, $0x1;
	s5 =	sadd.s32 s21, s3  }
0x9d: {  	[timem:s7], [sflag:s22] =	dma.local [hbm:s5], s20  }
0x9e: {  	_ =	swait.ge [sflag:s22], s20  }
0x9f: {  	s4 =	ssub.s32 $0x0, s20;
	[sflag:s22] =	ssyncset.done $0x0  }
0xa0: {  	[sflag:s22] =	ssyncadd.s32 s4;
	_ =	sdelay $0x1  }
0xa1: {  	s23 =	simm.s32 $0x1B8B  }
0xa2: {  	_ =	swait.ge [sflag:s23], $0x1  }
0xa3: {  	[sflag:s23] =	ssyncset.done $0x0  }
0xa4: {  	s25 =	simm.s32 $0x1B8E;
	s24 =	sld [smem:$0x3FFE];
	[sflag:s23] =	ssyncadd.s32 $0xFFFFFFFF  }
0xa5: {  	s26 =	simm.s32 $execute0_lowered;
	[smem:$0x3FD2] =	sst s25  }
0xa6: {  	s5 =	sshll.u32 s26, $0x1;
	_ =	strace $0x80000049;
	[dreg:$0x1] =	wrdreg $0xFFFFFFFF  }
0xa7: {  	s28 =	simm.s32 $_size_execute0_lowered;
	s3 =	sadd.s32 s3, s5;
	[dreg:$0x0] =	wrdreg $0x0  }
0xa8: {  	s5 =	sshll.u32 s28, $0x1;
	[dreg:$0x2] =	wrdreg s3  }
0xa9: {  	[dreg:$0x3] =	wrdreg s5  }
0xaa: {  	[dreg:$0x4] =	wrdreg $0xC0  }
0xab: {  	_ =	task [dreg:s7], $0x5FFFF  }
0xac: {  	[dreg:$0x1] =	wrdreg $0xFFFFFFFF  }
0xad: {  	[dreg:$0x0] =	wrdreg $0x60  }
0xae: {  	[dreg:$0x2] =	wrdreg s2  }
0xaf: {  	[dreg:$0x3] =	wrdreg s24  }
0xb0: {  	[dreg:$0x4] =	wrdreg $0xC3000  }
0xb1: {  	[dreg:$0x5] =	wrdreg $0x9  }
0xb2: {  	_ =	task.clear_ibuf [dreg:s7], $0x6FFFF;
	_ =	strace $0x90000049  }
0xb3: {  	s29 =	simm.s32 $0x9;
	_ =	strace $0x8000004B  }
0xb4: {  	_ =	swait.ge [sflag:s29], $0x1  }
0xb5: {  	[sflag:s29] =	ssyncadd.s32 $0xFFFFFFFF  }
0xb6: {  	_ =	strace $0x9000004B  }
0xb7: {  	_ =	sfence  }
0xb8: {  	s30 =	sld [smem:$0x0];
	_ =	sdelay $0x2  }
0xb9: {  	s31 =	sshll.u32 s1, $0xD;
	s1 =	sshrl.u32 s1, $0x2  }
0xba: {  	s3 =	sand.u32 $0x4000, s31;
	s1 =	sadd.s32 s1, s30  }
0xbb: {  	s0 =	sor.u32 s3, s0;
	s1 =	sshll.u32 s1, $0x11  }
0xbc: {  	s0 =	sor.u32 s1, s0  }
0xbd: {  	s0 =	sadd.s32 $0x8F2B, s0  }
0xbe: {  	[sflag:s0] =	ssyncadd.remote.s32 $0x1  }
0xbf: {  	_ =	sfence.sel $0xFFFF  }
0xc0: {  	[dreg:$0x0] =	wrdreg $0xFFFFFFFF;
	(pc) =	sbr.abs _section_cstart, $3  }
0xc1: {  	[dreg:$0x1] =	wrdreg $0xFFFFFFFF  }
0xc2: {  	_ =	task.clear_ibuf [dreg:s7], $0x2FFFF;
	_ =	strace $0x9FFFFFFF  }
0xc3: {  	(tm) =	ssettm $0x7FFFFFFF  }
tec
execute0_lowered:
.L_overlay_start_1:
0x0: {  	(tag) =	ssettag $0x1  }
0x1: {  	s1 =	rddreg [dreg:$0x0]  }
0x2: {  	s0 =	rddreg [dreg:$0x1]  }
0x3: {  	s2 =	rddreg [dreg:$0x2];
	s4 =	simm.s32 $0x0  }
0x4: {  	s3 =	srdreg.scid;
	s25 =	stileid.u32;
	s28 =	simm.s32 $0x180  }
0x5: {  	s29 =	simm.s32 $0x80;
	s30 =	simm.s32 $0x3;
	s31 =	simm.s32 $0x0  }
0x6: {  	[smem:$0x7FF] =	sst s4;
	s3 =	sand.u32 $0x1, s3;
	s6 =	smul.u32 $0x1F400, s25  }
0x7: {  	s11 =	sadd.s32 $0x1200, s0;
	s12 =	sadd.s32 $0xB000, s0;
	s14 =	smul.u32 $0x7D000, s25  }
0x8: {  	p1 =	sgt.u32 s25, $0x9;
	s5 =	smul.u32 $0x138800, s3;
	s7 =	sshll.u32 s3, $0x4  }
0x9: {  	s15 =	ssub.s32 $0x2, s3;
	s3 =	smul.u32 $0x4E0, s3;
	s13 =	sor.u32 s25, s7  }
0xa: {  	_ =	strace $0x8000004A;
	s16 =	sshrl.u32 s15, $0x1;
	s8 =	smul.u32 $0x4E0, s13  }
0xb: {  	s24 =	sshrl.u32 s14, $0x2;
	s5 =	sadd.s32 s6, s5;
	s9 =	smul.u32 $0x2700, s13  }
0xc: {  	s15 =	ssub.s32 s15, s16;
	s16 =	smul.u32 $0x4E200, s25;
	s5 =	sshrl.u32 s5, $0x3  }
0xd: {  	p0 =	sgt.u32 s13, $0x3;
	s15 =	smax.u32 s15, $0x1;
	s0 =	sadd.s32 s5, s0  }
0xe: {  	s17 =	sadd.s32 s11, s8;
	s18 =	sadd.s32 s12, s8;
	s8 =	sor.u32 $0x10, s8  }
0xf: {  	s9 =	sshrl.u32 s9, $0x3;
	s26 =	sshrl.u32 s16, $0x2;
	[dreg:$0x4] =	wrdreg s17  }
0x10: {  	[dreg:$0x5] =	wrdreg s18;
	s19 =	sadd.s32 s11, s8;
	s20 =	sadd.s32 s12, s8  }
0x11: {  	s10 =	sadd.s32 $0x20, s9;
	s17 =	sshll.u32 s25, $0x4;
	s18 =	smul.u32 $0x4E, s25  }
0x12: {  	s0 =	sadd.s32 $0x77000, s0;
	s14 =	sadd.s32 s26, s2;
	[dreg:$0x6] =	wrdreg s19  }
0x13: {  	s26 =	simm.s32 $0x4;
	[dreg:$0x7] =	wrdreg s20;
	s21 =	sadd.s32 s11, s10  }
0x14: {  	s10 =	sadd.s32 s12, s10;
	s17 =	sor.u32 $0x9C00, s17;
	[dreg:$0xb] =	wrdreg s0  }
0x15: {  	s0 =	sadd.s32 s24, s2;
	s16 =	sadd.s32 $0x3E80, s14;
	s24 =	simm.s32 $0x300  }
0x16: {  	[dreg:$0x8] =	wrdreg s21;
	s22 =	sadd.s32 s11, s17;
	s23 =	sadd.s32 s12, s17  }
0x17: {  	s3 =	sadd.s32 s18, s3;
	s17 =	sadd.s32 $0x7D00, s14;
	s18 =	sadd.s32 $0xBB80, s14  }
0x18: {  	s21 =	sadd.s32 $0xFA00, s14;
	s0 =	sshrl.u32 s0, $0x3;
	[dreg:$0x9] =	wrdreg s22  }
.Ltmp0:
0x19: {  	[dreg:$0xa] =	wrdreg s23;
	s3 =	sshll.u32 s3, $0x4;
	(pc) =	sbr.rel .LBB2_1-.Ltmp0, $4  }
0x1a: {  	[dreg:$0xc] =	wrdreg s0;
	s0 =	simm.s32 $0x100;
	s20 =	sadd.s32 $0x40, s3  }
0x1b: {  	s19 =	sadd.s32 s20, s11;
	s20 =	sadd.s32 s20, s12;
	s11 =	sadd.s32 s3, s11  }
0x1c: {  	s3 =	sadd.s32 s3, s12;
	s12 =	simm.s32 $0x1;
	s22 =	sadd.s32 $0x30, s11  }
0x1d: {  	v0 =	vimm.f32 $0.0e+00;
	s23 =	sadd.s32 $0x30, s3;
	s3 =	simm.s32 $0x280;
	s11 =	simm.s32 $0x8300  }
.LBB2_7:
0x1e: {  	s5 =	rddreg [dreg:$0x9]  }
0x1f: {  	[tilespmem:s4], [sflag:$0x4] =	stream.linear.gather [hbm4b:s5+s4], $0x80, $0x38;
	[tilespmem:$0x1FB80] =	vst v63  }
0x20: {  	_ =	swait.ge [sflag:s26], $0x80  }
0x21: {  	[sflag:s26] =	ssyncset.done $0x0  }
0x22: {  	s25 =	rddreg [dreg:$0xa];
	[sflag:s26] =	ssyncadd.s32 $0xFFFFFF80  }
0x23: {  	[tilespmem:s28], [sflag:$0x4] =	stream.linear.gather [hbm4b:s25+s4], $0x80, $0x38;
	[tilespmem:$0x1FB80] =	vst v63  }
0x24: {  	_ =	swait.ge [sflag:s26], $0x80  }
0x25: {  	[sflag:s26] =	ssyncset.done $0x0  }
0x26: {  	[sflag:s26] =	ssyncadd.s32 $0xFFFFFF80  }
0x27: {  	[tilespmem:s24], [sflag:$0x4] =	stream.indirect.gather [hbm4b:s1+s29], $0x80, s4, s29, $0xb8;
	[tilespmem:$0x1FB80] =	vst v63  }
0x28: {  	_ =	swait.ge [sflag:s26], $0x4000  }
0x29: {  	[sflag:s26] =	ssyncset.done $0x0  }
0x2a: {  	[sflag:s26] =	ssyncadd.s32 $0xFFFFC000  }
0x2b: {  	[spmem:s2] =	stream.indirect.scatter.add.f32 [tilespmem:s24], [sflag:$0x4], $0x80, s28, s29, $0xb8;
	[tilespmem:$0x1FB80] =	vst v63  }
0x2c: {  	_ =	swait.ge [sflag:s26], $0x4000  }
0x2d: {  	[sflag:s26] =	ssyncset.done $0x0  }
0x2e: {  	[sflag:s26] =	ssyncadd.s32 $0xFFFFC000  }
0x2f: {  	[bflag:$0x0] =	sbarrier.arrive $0xFFFF  }
.LBB2_9:
0x30: {  	s5 =	stileid.u32  }
0x31: {  	s6 =	rddreg [dreg:$0xb];
	s5 =	sshll.u32 s5, $0x6  }
0x32: {  	s7 =	rddreg [dreg:$0xc];
	s5 =	sor.u32 $0x1C04, s5  }
0x33: {  	[hbm:s6], [sflag:s5] =	dma.local [spmem:s7], $0x3E80  }
0x34: {  	_ =	swait.ge [sflag:s26], $0x3E80  }
0x35: {  	[sflag:s26] =	ssyncset.done $0x0  }
0x36: {  	[sflag:s26] =	ssyncadd.s32 $0xFFFFC180  }
.LBB2_10:
0x37: {  	s31 =	sadd.s32 $0x1, s31  }
0x38: {  	p2 =	sne.s32 s31, s15  }
.Ltmp1:
0x39: {  	_ = 	snop;
	(pc) =	sbr.rel @!p2 .LBB2_11-.Ltmp1, $1  }
0x3a: {  	_ =	sdelay $0x3  }
.LBB2_1:
0x3b: {  	s13 =	simm.s32 $0x70;
	s25 =	simm.s32 $0x3C0  }
.LBB2_2:
0x3c: {  	p2 =	sne.s32 s25, $0xF9C0;
	[tilespmem:s13+$0x300] =	vst v0  }
0x3d: {  	[tilespmem:s13+$0x290] =	vst v0  }
0x3e: {  	[tilespmem:s13+$0x2A0] =	vst v0  }
.Ltmp2:
0x3f: {  	[tilespmem:s13+$0x2B0] =	vst v0;
	(pc) =	sbr.rel @p2 .LBB2_2-.Ltmp2, $4  }
0x40: {  	[tilespmem:s13+$0x2C0] =	vst v0  }
0x41: {  	[tilespmem:s13+$0x2D0] =	vst v0  }
0x42: {  	[tilespmem:s13+$0x2E0] =	vst v0  }
0x43: {  	[tilespmem:s13+$0x2F0] =	vst v0;
	s13 =	sshra.s32 s25, $0x2;
	s25 =	sadd.s32 $0x200, s25  }
0x44: {  	[tilespmem:s13+$0x300] =	vst v0  }
0x45: {  	[tilespmem:s13+$0x290] =	vst v0  }
0x46: {  	[tilespmem:s13+$0x2A0] =	vst v0  }
0x47: {  	[tilespmem:s13+$0x2B0] =	vst v0  }
0x48: {  	[tilespmem:s13+$0x2C0] =	vst v0  }
0x49: {  	[tilespmem:s13+$0x2D0] =	vst v0  }
0x4a: {  	[tilespmem:s13+$0x2E0] =	vst v0  }
0x4b: {  	[tilespmem:s13+$0x2F0] =	vst v0  }
0x4c: {  	[spmem:s14] =	stream.linear.scatter [tilespmem:s24], [sflag:$0x4], $0x3E80, $0x38;
	[tilespmem:$0x1FB80] =	vst v63  }
0x4d: {  	_ =	swait.ge [sflag:s26], $0x3E80  }
0x4e: {  	[sflag:s26] =	ssyncset.done $0x0  }
0x4f: {  	[sflag:s26] =	ssyncadd.s32 $0xFFFFC180  }
0x50: {  	[spmem:s16] =	stream.linear.scatter [tilespmem:s24], [sflag:$0x4], $0x3E80, $0x38;
	[tilespmem:$0x1FB80] =	vst v63  }
0x51: {  	_ =	swait.ge [sflag:s26], $0x3E80  }
0x52: {  	[sflag:s26] =	ssyncset.done $0x0  }
0x53: {  	[sflag:s26] =	ssyncadd.s32 $0xFFFFC180  }
0x54: {  	[spmem:s17] =	stream.linear.scatter [tilespmem:s24], [sflag:$0x4], $0x3E80, $0x38;
	[tilespmem:$0x1FB80] =	vst v63  }
0x55: {  	_ =	swait.ge [sflag:s26], $0x3E80  }
0x56: {  	[sflag:s26] =	ssyncset.done $0x0  }
0x57: {  	[sflag:s26] =	ssyncadd.s32 $0xFFFFC180  }
0x58: {  	[spmem:s18] =	stream.linear.scatter [tilespmem:s24], [sflag:$0x4], $0x3E80, $0x38;
	[tilespmem:$0x1FB80] =	vst v63  }
0x59: {  	_ =	swait.ge [sflag:s26], $0x3E80  }
0x5a: {  	[sflag:s26] =	ssyncset.done $0x0  }
0x5b: {  	[sflag:s26] =	ssyncadd.s32 $0xFFFFC180  }
0x5c: {  	[spmem:s21] =	stream.linear.scatter [tilespmem:s24], [sflag:$0x4], $0x3E80, $0x38;
	[tilespmem:$0x1FB80] =	vst v63  }
0x5d: {  	_ =	swait.ge [sflag:s26], $0x3E80  }
0x5e: {  	[sflag:s26] =	ssyncset.done $0x0  }
0x5f: {  	[sflag:s26] =	ssyncadd.s32 $0xFFFFC180  }
0x60: {  	[bflag:$0x0] =	sbarrier.arrive $0xFFFF  }
0x61: {  	s13 =	simm.s32 $0x0;
	s5 =	rddreg [dreg:$0x4]  }
0x62: {  	[tilespmem:s13], [sflag:$0x4] =	stream.linear.gather [hbm4b:s5+s13], $0x80, $0x38;
	[tilespmem:$0x1FB80] =	vst v63  }
0x63: {  	_ =	swait.ge [sflag:s26], $0x80  }
0x64: {  	[sflag:s26] =	ssyncset.done $0x0  }
0x65: {  	s6 =	rddreg [dreg:$0x5];
	[sflag:s26] =	ssyncadd.s32 $0xFFFFFF80  }
0x66: {  	[tilespmem:s28], [sflag:$0x4] =	stream.linear.gather [hbm4b:s6+s13], $0x80, $0x38;
	[tilespmem:$0x1FB80] =	vst v63  }
0x67: {  	_ =	swait.ge [sflag:s26], $0x80  }
0x68: {  	[sflag:s26] =	ssyncset.done $0x0  }
0x69: {  	[sflag:s26] =	ssyncadd.s32 $0xFFFFFF80  }
0x6a: {  	[tilespmem:s24], [sflag:$0x1] =	stream.indirect.gather [hbm4b:s1+s29], $0x80, s13, s29, $0xb8;
	[tilespmem:$0x1FB80] =	vst v63  }
0x6b: {  	s7 =	rddreg [dreg:$0x6]  }
0x6c: {  	[tilespmem:s29], [sflag:$0x4] =	stream.linear.gather [hbm4b:s7+s13], $0x80, $0x38;
	[tilespmem:$0x1FB80] =	vst v63  }
0x6d: {  	_ =	swait.ge [sflag:s26], $0x80  }
0x6e: {  	[sflag:s26] =	ssyncset.done $0x0  }
0x6f: {  	s6 =	simm.s32 $0x200;
	s8 =	rddreg [dreg:$0x7];
	[sflag:s26] =	ssyncadd.s32 $0xFFFFFF80  }
0x70: {  	[tilespmem:s6], [sflag:$0x4] =	stream.linear.gather [hbm4b:s8+s13], $0x80, $0x38;
	[tilespmem:$0x1FB80] =	vst v63  }
0x71: {  	_ =	swait.ge [sflag:s26], $0x80  }
0x72: {  	[sflag:s26] =	ssyncset.done $0x0  }
0x73: {  	s9 =	simm.s32 $0x4300;
	[sflag:s26] =	ssyncadd.s32 $0xFFFFFF80  }
0x74: {  	[tilespmem:s9], [sflag:$0x2] =	stream.indirect.gather [hbm4b:s1+s29], $0x80, s29, s29, $0xb8;
	[tilespmem:$0x1FB80] =	vst v63  }
0x75: {  	s25 =	rddreg [dreg:$0x8]  }
0x76: {  	[tilespmem:s0], [sflag:$0x4] =	stream.linear.gather [hbm4b:s25+s13], $0x80, $0x38;
	[tilespmem:$0x1FB80] =	vst v63  }
0x77: {  	_ =	swait.ge [sflag:s26], $0x80  }
0x78: {  	[sflag:s26] =	ssyncset.done $0x0  }
0x79: {  	[sflag:s26] =	ssyncadd.s32 $0xFFFFFF80  }
0x7a: {  	[tilespmem:s3], [sflag:$0x4] =	stream.linear.gather [hbm4b:s10+s13], $0x80, $0x38;
	[tilespmem:$0x1FB80] =	vst v63  }
0x7b: {  	_ =	swait.ge [sflag:s26], $0x80  }
0x7c: {  	[sflag:s26] =	ssyncset.done $0x0  }
0x7d: {  	[sflag:s26] =	ssyncadd.s32 $0xFFFFFF80  }
0x7e: {  	[tilespmem:s11], [sflag:$0x3] =	stream.indirect.gather [hbm4b:s1+s29], $0x80, s0, s29, $0xb8;
	[tilespmem:$0x1FB80] =	vst v63  }
.LBB2_4:
0x7f: {  	_ =	swait.ge [sflag:s12], $0x4000  }
0x80: {  	[sflag:s12] =	ssyncset.done $0x0  }
0x81: {  	[sflag:s12] =	ssyncadd.s32 $0xFFFFC000  }
0x82: {  	[spmem:s2] =	stream.indirect.scatter.add.f32 [tilespmem:s24], [sflag:$0x4], $0x80, s28, s29, $0xb8;
	[tilespmem:$0x1FB80] =	vst v63  }
0x83: {  	_ =	swait.ge [sflag:s26], $0x4000  }
0x84: {  	p2 =	seq.s32 s13, $0x4B0;
	[sflag:s26] =	ssyncset.done $0x0  }
0x85: {  	s25 =	simm.s32 @p2 $0x2;
	[sflag:s26] =	ssyncadd.s32 $0xFFFFC000  }
0x86: {  	_ =	swait.ge @p2 [sflag:s25], $0x4000  }
0x87: {  	s5 =	simm.s32 @p2 $0x200;
	[sflag:s25] =	ssyncset.done @p2 $0x0  }
0x88: {  	s6 =	simm.s32 @p2 $0x4300;
	[sflag:s25] =	ssyncadd.s32 @p2 $0xFFFFC000;
	s25 =	simm.s32 @p2 $0x80  }
0x89: {  	[spmem:s2] =	stream.indirect.scatter.add.f32 @p2 [tilespmem:s6], [sflag:$0x4], $0x80, s5, s25, $0xb8;
	[tilespmem:$0x1FB80] =	vst v63  }
0x8a: {  	s5 =	simm.s32 @p2 $0x4  }
0x8b: {  	_ =	swait.ge @p2 [sflag:s5], $0x4000  }
0x8c: {  	[sflag:s5] =	ssyncset.done @p2 $0x0  }
0x8d: {  	s6 =	simm.s32 @!p2 $0x0;
	[sflag:s5] =	ssyncadd.s32 @p2 $0xFFFFC000;
	s5 =	sadd.s32 @!p2 s13, s22  }
0x8e: {  	[tilespmem:s6], [sflag:$0x4] =	stream.linear.gather @!p2 [hbm4b:s5+s6], $0x80, $0x38;
	[tilespmem:$0x1FB80] =	vst v63  }
0x8f: {  	s5 =	simm.s32 @!p2 $0x4  }
0x90: {  	_ =	swait.ge @!p2 [sflag:s5], $0x80  }
0x91: {  	[sflag:s5] =	ssyncset.done @!p2 $0x0  }
0x92: {  	s7 =	simm.s32 @!p2 $0x180;
	s25 =	sadd.s32 @!p2 s13, s23;
	[sflag:s5] =	ssyncadd.s32 @!p2 $0xFFFFFF80  }
0x93: {  	[tilespmem:s7], [sflag:$0x4] =	stream.linear.gather @!p2 [hbm4b:s25+s6], $0x80, $0x38;
	[tilespmem:$0x1FB80] =	vst v63  }
0x94: {  	_ =	swait.ge @!p2 [sflag:s5], $0x80  }
0x95: {  	[sflag:s5] =	ssyncset.done @!p2 $0x0  }
0x96: {  	s7 =	simm.s32 @!p2 $0x80;
	s25 =	simm.s32 @!p2 $0x300;
	[sflag:s5] =	ssyncadd.s32 @!p2 $0xFFFFFF80  }
0x97: {  	[tilespmem:s25], [sflag:$0x1] =	stream.indirect.gather @!p2 [hbm4b:s1+s7], $0x80, s6, s7, $0xb8;
	[tilespmem:$0x1FB80] =	vst v63  }
0x98: {  	s25 =	simm.s32 @!p2 $0x2  }
0x99: {  	_ =	swait.ge @!p2 [sflag:s25], $0x4000  }
0x9a: {  	[sflag:s25] =	ssyncset.done @!p2 $0x0  }
0x9b: {  	s8 =	simm.s32 @!p2 $0x4300;
	[sflag:s25] =	ssyncadd.s32 @!p2 $0xFFFFC000;
	s25 =	simm.s32 @!p2 $0x200  }
0x9c: {  	[spmem:s2] =	stream.indirect.scatter.add.f32 @!p2 [tilespmem:s8], [sflag:$0x4], $0x80, s25, s7, $0xb8;
	[tilespmem:$0x1FB80] =	vst v63  }
0x9d: {  	_ =	swait.ge @!p2 [sflag:s5], $0x4000  }
0x9e: {  	[sflag:s5] =	ssyncset.done @!p2 $0x0  }
0x9f: {  	s9 =	sadd.s32 @!p2 s13, s19;
	[sflag:s5] =	ssyncadd.s32 @!p2 $0xFFFFC000  }
0xa0: {  	[tilespmem:s7], [sflag:$0x4] =	stream.linear.gather @!p2 [hbm4b:s9+s6], $0x80, $0x38;
	[tilespmem:$0x1FB80] =	vst v63  }
0xa1: {  	_ =	swait.ge @!p2 [sflag:s5], $0x80  }
0xa2: {  	[sflag:s5] =	ssyncset.done @!p2 $0x0  }
0xa3: {  	s9 =	sadd.s32 @!p2 s13, s20;
	[sflag:s5] =	ssyncadd.s32 @!p2 $0xFFFFFF80  }
0xa4: {  	[tilespmem:s25], [sflag:$0x4] =	stream.linear.gather @!p2 [hbm4b:s9+s6], $0x80, $0x38;
	[tilespmem:$0x1FB80] =	vst v63  }
0xa5: {  	_ =	swait.ge @!p2 [sflag:s5], $0x80  }
0xa6: {  	[sflag:s5] =	ssyncset.done @!p2 $0x0  }
0xa7: {  	[sflag:s5] =	ssyncadd.s32 @!p2 $0xFFFFFF80  }
0xa8: {  	[tilespmem:s8], [sflag:$0x2] =	stream.indirect.gather @!p2 [hbm4b:s1+s7], $0x80, s7, s7, $0xb8;
	[tilespmem:$0x1FB80] =	vst v63  }
0xa9: {  	_ =	swait.ge [sflag:s30], $0x4000  }
0xaa: {  	[sflag:s30] =	ssyncset.done $0x0  }
.Ltmp3:
0xab: {  	[sflag:s30] =	ssyncadd.s32 $0xFFFFC000;
	(pc) =	sbr.rel @p2 .LBB2_6-.Ltmp3, $4  }
0xac: {  	[spmem:s2] =	stream.indirect.scatter.add.f32 [tilespmem:s11], [sflag:$0x4], $0x80, s3, s29, $0xb8;
	[tilespmem:$0x1FB80] =	vst v63  }
0xad: {  	_ =	swait.ge [sflag:s26], $0x4000  }
0xae: {  	[sflag:s26] =	ssyncset.done $0x0  }
0xaf: {  	[sflag:s26] =	ssyncadd.s32 $0xFFFFC000  }
0xb0: {  	s5 =	sadd.s32 s13, s19  }
0xb1: {  	s5 =	sadd.s32 $0x10, s5  }
0xb2: {  	[tilespmem:s0], [sflag:$0x4] =	stream.linear.gather [hbm4b:s5+s4], $0x80, $0x38;
	[tilespmem:$0x1FB80] =	vst v63  }
0xb3: {  	_ =	swait.ge [sflag:s26], $0x80  }
0xb4: {  	s25 =	sadd.s32 s13, s20;
	[sflag:s26] =	ssyncset.done $0x0  }
0xb5: {  	s5 =	sadd.s32 $0x10, s25;
	[sflag:s26] =	ssyncadd.s32 $0xFFFFFF80  }
0xb6: {  	[tilespmem:s3], [sflag:$0x4] =	stream.linear.gather [hbm4b:s5+s4], $0x80, $0x38;
	[tilespmem:$0x1FB80] =	vst v63  }
.Ltmp4:
0xb7: {  	_ = 	snop;
	(pc) =	sbr.rel .LBB2_4-.Ltmp4, $4  }
0xb8: {  	_ =	swait.ge [sflag:s26], $0x80  }
0xb9: {  	[sflag:s26] =	ssyncset.done $0x0  }
0xba: {  	s13 =	sadd.s32 $0x30, s13;
	[sflag:s26] =	ssyncadd.s32 $0xFFFFFF80  }
0xbb: {  	[tilespmem:s11], [sflag:$0x3] =	stream.indirect.gather [hbm4b:s1+s29], $0x80, s0, s29, $0xb8;
	[tilespmem:$0x1FB80] =	vst v63  }
.LBB2_6:
.Ltmp5:
0xbc: {  	(pc) =	sbr.rel @!p0 .LBB2_7-.Ltmp5, $1  }
0xbd: {  	_ =	sdelay $0x3  }
.Ltmp6:
0xbe: {  	(pc) =	sbr.rel @p1 .LBB2_10-.Ltmp6, $4  }
.Ltmp7:
0xbf: {  	(pc) =	sbr.rel @!p1 .LBB2_9-.Ltmp7, $4  }
0xc0: {  	_ = 	snop  }
0xc1: {  	[bflag:$0x0] =	sbarrier.arrive $0xFFFF  }
0xc2: {  	_ = 	snop  }
0xc3: {  	_ = 	snop  }
.LBB2_11:
0xc4: {  	_ =	sfence.sel $0x180000  }
0xc5: {  	[bflag:$0x0] =	sbarrier.arrive $0xFFFF  }
0xc6: {  	_ =	strace $0x9000004A  }
0xc7: {  	s0 =	stileid.u32;
	[bflag:$0x2] =	sbarrier.arrive $0xFFFF  }
0xc8: {  	p0 =	sne.s32 s0, $0x0;
	s0 =	rddreg [dreg:$0x3]  }
0xc9: {  	s0 =	sadd.s32 @!p0 $0x100000, s0  }
0xca: {  	[sflag:s0] =	ssyncadd.tile.s32 @!p0 $0x1;
	_ =	shalt  }
.Lfunc_end2:
_tile_overlayer_lowered:
.L_overlay_start_2:
0xcb: {  	(tag) =	ssettag $0x2  }
0xcc: {  	s0 =	rddreg [dreg:$0x0];
	s2 =	stileid.u32  }
0xcd: {  	s1 =	rddreg [dreg:$0x1];
	p0 =	sne.s32 s2, $0x0  }
0xce: {  	s3 =	rddreg [dreg:$0x2];
	[bflag:$0x3] =	sbarrier.arrive $0xFFFF;
	s2 =	simm.s32 @!p0 $0x1C04  }
0xcf: {  	[timem:s3], [sflag:s2] =	dma.local @!p0 [hbm:s0], s1  }
0xd0: {  	s0 =	simm.s32 @!p0 $0x4  }
0xd1: {  	_ =	swait.ge @!p0 [sflag:s0], s1  }
0xd2: {  	s1 =	ssub.s32 @!p0 $0x0, s1;
	[sflag:s0] =	ssyncset.done @!p0 $0x0  }
0xd3: {  	[sflag:s0] =	ssyncadd.s32 @!p0 s1  }
0xd4: {  	[bflag:$0x3] =	sbarrier.arrive $0xFFFF  }
0xd5: {  	_ =	shalt  }

</sc_bundles>
